<compile_context>
chip_gen: v7x
topology: tpu7x:2x2x1
jax: 0.10.2.dev20260603
libtpu: 0.0.44.dev20260713+nightly
codegen_flags: <defaults>
</compile_context>

<pallas_src>
import jax
import jax.numpy as jnp
from jax import lax
from jax.experimental import pallas as pl
from jax.experimental.pallas import tpu as pltpu
from jax.experimental.pallas import tpu_sc as plsc

N, D, E, TOP_K = 8192, 2048, 16, 2
BLOCK = 1024

L = 16
NW = 32
CHUNK = N // NW
GROUPS = CHUNK // L


def _noisy_body(x_ref, w_ref, b_ref, eps_ref, noisy_ref):
    acc = jnp.dot(x_ref[...], w_ref[...], preferred_element_type=jnp.float32)
    acc = acc + b_ref[...]
    logits = acc[:, :E]
    nlog = acc[:, E:]
    noisy_ref[...] = logits + eps_ref[...] * jax.nn.softplus(nlog)


HALF = CHUNK // 2


def _route_body(noisy_hbm, sparse_hbm, idx_hbm, noisy_v, out_v, idx_v,
                sem_in, sem_out):
    wid = lax.axis_index("s") * 2 + lax.axis_index("c")
    base = wid * CHUNK

    cp_in0 = pltpu.async_copy(
        noisy_hbm.at[pl.ds(base, HALF)], noisy_v.at[pl.ds(0, HALF)], sem_in)
    cp_in1 = pltpu.async_copy(
        noisy_hbm.at[pl.ds(base + HALF, HALF)], noisy_v.at[pl.ds(HALF, HALF)],
        sem_in)

    lanes = lax.iota(jnp.int32, L)
    zero_i = jnp.full((L,), 0, jnp.int32)
    one_f = jnp.full((L,), 1.0, jnp.float32)
    zero_f = jnp.full((L,), 0.0, jnp.float32)

    def group(g):
        toks = lanes + jnp.full((L,), g * L, jnp.int32)
        mask = jnp.full((L,), E - 1, jnp.int32)
        m1 = plsc.load_gather(noisy_v, [toks, lanes])
        i1 = lanes
        m2 = jnp.full((L,), -jnp.inf, jnp.float32)
        i2 = zero_i
        for e in range(1, E):
            es = (jnp.full((L,), e, jnp.int32) + lanes) & mask
            ve = plsc.load_gather(noisy_v, [toks, es])
            gt1 = ve > m1
            gt2 = ve > m2
            m2 = jnp.where(gt1, m1, jnp.where(gt2, ve, m2))
            i2 = jnp.where(gt1, i1, jnp.where(gt2, es, i2))
            m1 = jnp.where(gt1, ve, m1)
            i1 = jnp.where(gt1, es, i1)
        e2 = jnp.exp(m2 - m1)
        p1 = one_f / (one_f + e2)
        p2 = e2 * p1
        for t in range(L):
            out_v[g * L + t] = zero_f
        plsc.store_scatter(out_v, [toks, i1], p1)
        plsc.store_scatter(out_v, [toks, i2], p2)
        plsc.store_scatter(idx_v, [toks, zero_i], i1)
        plsc.store_scatter(idx_v, [toks, zero_i + 1], i2)

    cp_in0.wait()
    lax.fori_loop(0, GROUPS // 2, lambda g, c: (group(g), c)[1], 0)
    cp_out0 = pltpu.async_copy(
        out_v.at[pl.ds(0, HALF)], sparse_hbm.at[pl.ds(base, HALF)], sem_out)
    cp_in1.wait()
    lax.fori_loop(GROUPS // 2, GROUPS, lambda g, c: (group(g), c)[1], 0)
    cp_out0.wait()
    pltpu.sync_copy(out_v.at[pl.ds(HALF, HALF)],
                    sparse_hbm.at[pl.ds(base + HALF, HALF)])
    pltpu.sync_copy(idx_v, idx_hbm.at[pl.ds(base, CHUNK)])


@jax.jit
def kernel(x, Wg, bg, Wn, bn, eps):
    noisy = pl.pallas_call(
        _noisy_body,
        grid=(N // BLOCK,),
        in_specs=[
            pl.BlockSpec((BLOCK, D), lambda i: (i, 0)),
            pl.BlockSpec((D, 2 * E), lambda i: (0, 0)),
            pl.BlockSpec((1, 2 * E), lambda i: (0, 0)),
            pl.BlockSpec((BLOCK, E), lambda i: (i, 0)),
        ],
        out_specs=pl.BlockSpec((BLOCK, E), lambda i: (i, 0)),
        out_shape=jax.ShapeDtypeStruct((N, E), jnp.float32),
    )(x, jnp.concatenate([Wg, Wn], axis=1),
      jnp.concatenate([bg, bn]).reshape(1, 2 * E), eps)

    route = pl.kernel(
        _route_body,
        out_type=(
            jax.ShapeDtypeStruct((N, E), jnp.float32),
            jax.ShapeDtypeStruct((N, TOP_K), jnp.int32),
        ),
        mesh=plsc.VectorSubcoreMesh(core_axis_name="c", subcore_axis_name="s"),
        compiler_params=pltpu.CompilerParams(
            needs_layout_passes=False,
            disable_bounds_checks=True,
            disable_semaphore_checks=True,
        ),
        scratch_types=[
            pltpu.VMEM((CHUNK, E), jnp.float32),
            pltpu.VMEM((CHUNK, E), jnp.float32),
            pltpu.VMEM((CHUNK, TOP_K), jnp.int32),
            pltpu.SemaphoreType.DMA,
            pltpu.SemaphoreType.DMA,
        ],
    )
    sparse, idx = route(noisy)
    return sparse, idx

# --- scband reference (transcript-rebuilt; emitter-appended) ---
"""Pipeline reference for scband-noisy-router-47201690583343 (READ-ONLY COPY).

The authoritative reference and input builder live on the scoring server;
editing this copy changes nothing except your own understanding.
"""

import jax, jax.numpy as jnp
import numpy as np

N, D, E, TOP_K = 8192, 2048, 16, 2

def setup_inputs(seed: int = 0) -> dict:
    key = jax.random.key(seed)
    ks = jax.random.split(key, 6)
    x = jax.random.normal(ks[0], (N, D), dtype=jnp.float32)
    # nn.Linear(dim, num_experts): weight [E, D], bias [E]; we store transposed for matmul
    Wg = jax.random.uniform(ks[1], (D, E), dtype=jnp.float32, minval=-1.0, maxval=1.0) / np.sqrt(D)
    bg = jax.random.uniform(ks[2], (E,), dtype=jnp.float32, minval=-1.0, maxval=1.0) / np.sqrt(D)
    Wn = jax.random.uniform(ks[3], (D, E), dtype=jnp.float32, minval=-1.0, maxval=1.0) / np.sqrt(D)
    bn = jax.random.uniform(ks[4], (E,), dtype=jnp.float32, minval=-1.0, maxval=1.0) / np.sqrt(D)
    # torch.randn_like(logits): the noise sample is a constant w.r.t. autograd
    eps = jax.random.normal(ks[5], (N, E), dtype=jnp.float32)
    return {"x": x, "Wg": Wg, "bg": bg, "Wn": Wn, "bn": bn, "eps": eps}

def reference(x, Wg, bg, Wn, bn, eps):
    logits = x @ Wg + bg
    noise_logits = x @ Wn + bn
    noise = eps * jax.nn.softplus(noise_logits)
    noisy_logits = logits + noise
    top_k_logits, top_k_indices = jax.lax.top_k(noisy_logits, TOP_K)
    rows = jnp.arange(noisy_logits.shape[0])[:, None]
    zeros = jnp.full_like(logits, -jnp.inf)
    zeros = zeros.at[rows, top_k_indices].set(top_k_logits)
    sparse_logits = jax.nn.softmax(zeros, axis=-1)
    return (sparse_logits, top_k_indices)

if __name__ == "__main__":
    import jax
    _d = setup_inputs()
    print(jax.jit(kernel)(*tuple(_d.values())))

</pallas_src>

<mosaic_0001>
#map = affine_map<(d0, d1) -> (0, 0)>
module attributes {stable_mosaic.version = 14 : i64} {
  func.func @_route_body(%arg0: i32, %arg1: i32, %arg2: memref<8192x16xf32, #tpu.memory_space<hbm>>, %arg3: memref<8192x16xf32, #tpu.memory_space<hbm>>, %arg4: memref<8192x2xi32, #tpu.memory_space<hbm>>, %arg5: memref<256x16xf32, #tpu.memory_space<vmem>>, %arg6: memref<256x16xf32, #tpu.memory_space<vmem>>, %arg7: memref<256x2xi32, #tpu.memory_space<vmem>>, %arg8: memref<!tpu.dma_semaphore, #tpu.memory_space<semaphore_mem>>, %arg9: memref<!tpu.dma_semaphore, #tpu.memory_space<semaphore_mem>>) attributes {dimension_semantics = [#tpu.dimension_semantics<core_parallel>, #tpu.dimension_semantics<subcore_parallel>], iteration_bounds = array<i64: 2, 16>, scalar_prefetch = 0 : i64, scratch_operands = 5 : i64, tpu.core_type = #tpu.core_type<sc_vector_subcore>, window_params = [{transform_indices = #map}, {transform_indices = #map}, {transform_indices = #map}]} {
    %mul3A = arith.constant 2 : i32
    %mul3A_0 = arith.muli %arg1, %mul3A : i32
    %add3A = arith.addi %mul3A_0, %arg0 : i32
    %mul3A_1 = arith.constant 256 : i32
    %mul3A_2 = arith.muli %add3A, %mul3A_1 : i32
    %dma_start3A = arith.constant 0 : i32
    %dma_start3A_3 = arith.constant 0 : i32
    %dma_start3A_4 = tpu.memref_slice %arg5[%dma_start3A, %dma_start3A_3] : memref<256x16xf32, #tpu.memory_space<vmem>> -> memref<128x16xf32, #tpu.memory_space<vmem>>
    %dma_start3A_5 = arith.constant 0 : i32
    %dma_start3A_6 = tpu.memref_slice %arg2[%mul3A_2, %dma_start3A_5] : memref<8192x16xf32, #tpu.memory_space<hbm>> -> memref<128x16xf32, #tpu.memory_space<hbm>>
    %dma_start3A_7 = arith.constant 0 : i32
    %dma_start3A_8 = arith.constant 0 : i32
    %dma_start3A_9 = tpu.memref_slice %arg5[%dma_start3A_7, %dma_start3A_8] : memref<256x16xf32, #tpu.memory_space<vmem>> -> memref<128x16xf32, #tpu.memory_space<vmem>>
    %dma_start3A_10 = arith.constant 0 : i32
    %dma_start3A_11 = tpu.memref_slice %arg2[%mul3A_2, %dma_start3A_10] : memref<8192x16xf32, #tpu.memory_space<hbm>> -> memref<128x16xf32, #tpu.memory_space<hbm>>
    tpu.enqueue_dma source(%dma_start3A_11 : memref<128x16xf32, #tpu.memory_space<hbm>>) target(%dma_start3A_9 : memref<128x16xf32, #tpu.memory_space<vmem>>) target_semaphore(%arg8 : memref<!tpu.dma_semaphore, #tpu.memory_space<semaphore_mem>>)
    %add3A_12 = arith.constant 128 : i32
    %add3A_13 = arith.addi %mul3A_2, %add3A_12 : i32
    %dma_start3A_14 = arith.constant 128 : i32
    %dma_start3A_15 = arith.constant 0 : i32
    %dma_start3A_16 = tpu.memref_slice %arg5[%dma_start3A_14, %dma_start3A_15] : memref<256x16xf32, #tpu.memory_space<vmem>> -> memref<128x16xf32, #tpu.memory_space<vmem>>
    %dma_start3A_17 = arith.constant 0 : i32
    %dma_start3A_18 = tpu.memref_slice %arg2[%add3A_13, %dma_start3A_17] : memref<8192x16xf32, #tpu.memory_space<hbm>> -> memref<128x16xf32, #tpu.memory_space<hbm>>
    %dma_start3A_19 = arith.constant 128 : i32
    %dma_start3A_20 = arith.constant 0 : i32
    %dma_start3A_21 = tpu.memref_slice %arg5[%dma_start3A_19, %dma_start3A_20] : memref<256x16xf32, #tpu.memory_space<vmem>> -> memref<128x16xf32, #tpu.memory_space<vmem>>
    %dma_start3A_22 = arith.constant 0 : i32
    %dma_start3A_23 = tpu.memref_slice %arg2[%add3A_13, %dma_start3A_22] : memref<8192x16xf32, #tpu.memory_space<hbm>> -> memref<128x16xf32, #tpu.memory_space<hbm>>
    tpu.enqueue_dma source(%dma_start3A_23 : memref<128x16xf32, #tpu.memory_space<hbm>>) target(%dma_start3A_21 : memref<128x16xf32, #tpu.memory_space<vmem>>) target_semaphore(%arg8 : memref<!tpu.dma_semaphore, #tpu.memory_space<semaphore_mem>>)
    %iota3A = tpu.iota {dimensions = array<i32: 0>} : vector<16xi32>
    %broadcast_in_dim3A = arith.constant 0 : i32
    %broadcast_in_dim3A_24 = vector.broadcast %broadcast_in_dim3A : i32 to vector<16xi32>
    %broadcast_in_dim3A_25 = arith.constant 1.000000e+00 : f32
    %broadcast_in_dim3A_26 = vector.broadcast %broadcast_in_dim3A_25 : f32 to vector<16xf32>
    %broadcast_in_dim3A_27 = arith.constant 0.000000e+00 : f32
    %broadcast_in_dim3A_28 = vector.broadcast %broadcast_in_dim3A_27 : f32 to vector<16xf32>
    %dma_wait3A = arith.constant 0 : i32
    %dma_wait3A_29 = arith.constant 0 : i32
    %dma_wait3A_30 = tpu.memref_slice %arg5[%dma_wait3A, %dma_wait3A_29] : memref<256x16xf32, #tpu.memory_space<vmem>> -> memref<128x16xf32, #tpu.memory_space<vmem>>
    %dma_wait3A_31 = arith.constant 0 : i32
    %dma_wait3A_32 = tpu.memref_slice %arg2[%mul3A_2, %dma_wait3A_31] : memref<8192x16xf32, #tpu.memory_space<hbm>> -> memref<128x16xf32, #tpu.memory_space<hbm>>
    %dma_wait3A_33 = arith.constant 0 : i32
    %dma_wait3A_34 = arith.constant 0 : i32
    %dma_wait3A_35 = tpu.memref_slice %arg5[%dma_wait3A_33, %dma_wait3A_34] : memref<256x16xf32, #tpu.memory_space<vmem>> -> memref<128x16xf32, #tpu.memory_space<vmem>>
    %dma_wait3A_36 = arith.constant 0 : i32
    %dma_wait3A_37 = tpu.memref_slice %arg2[%mul3A_2, %dma_wait3A_36] : memref<8192x16xf32, #tpu.memory_space<hbm>> -> memref<128x16xf32, #tpu.memory_space<hbm>>
    tpu.wait_dma2 semaphore(%arg8 : memref<!tpu.dma_semaphore, #tpu.memory_space<semaphore_mem>>) src(%dma_wait3A_37 : memref<128x16xf32, #tpu.memory_space<hbm>>) dst(%dma_wait3A_35 : memref<128x16xf32, #tpu.memory_space<vmem>>)
    %scan3A = arith.constant 0 : i32
    %scan3A_38 = arith.constant 0 : i32
    %scan3A_39 = arith.constant 8 : i32
    %scan3A_40 = arith.addi %scan3A_38, %scan3A_39 : i32
    %scan3A_41 = arith.constant 1 : i32
    scf.for %scan3A_81 = %scan3A_38 to %scan3A_40 step %scan3A_41  : i32 {
      %mul3A_82 = arith.constant 16 : i32
      %mul3A_83 = arith.muli %scan3A_81, %mul3A_82 : i32
      %broadcast_in_dim3A_84 = vector.broadcast %mul3A_83 : i32 to vector<16xi32>
      %add3A_85 = arith.addi %iota3A, %broadcast_in_dim3A_84 : vector<16xi32>
      %broadcast_in_dim3A_86 = arith.constant 15 : i32
      %broadcast_in_dim3A_87 = vector.broadcast %broadcast_in_dim3A_86 : i32 to vector<16xi32>
      %gather3A = tpu.vector_load_idx %arg5[%add3A_85, %iota3A] : memref<256x16xf32, #tpu.memory_space<vmem>>[vector<16xi32>, vector<16xi32>], vector<16xf32>,
      %broadcast_in_dim3A_88 = arith.constant 0xFF800000 : f32
      %broadcast_in_dim3A_89 = vector.broadcast %broadcast_in_dim3A_88 : f32 to vector<16xf32>
      %broadcast_in_dim3A_90 = arith.constant 1 : i32
      %broadcast_in_dim3A_91 = vector.broadcast %broadcast_in_dim3A_90 : i32 to vector<16xi32>
      %add3A_92 = arith.addi %broadcast_in_dim3A_91, %iota3A : vector<16xi32>
      %and3A = arith.andi %add3A_92, %broadcast_in_dim3A_87 : vector<16xi32>
      %gather3A_93 = tpu.vector_load_idx %arg5[%add3A_85, %and3A] : memref<256x16xf32, #tpu.memory_space<vmem>>[vector<16xi32>, vector<16xi32>], vector<16xf32>,
      %gt3A = arith.cmpf ogt, %gather3A_93, %gather3A : vector<16xf32>
      %gt3A_94 = arith.cmpf ogt, %gather3A_93, %broadcast_in_dim3A_89 : vector<16xf32>
      %select_n3A = arith.select %gt3A_94, %gather3A_93, %broadcast_in_dim3A_89 : vector<16xi1>, vector<16xf32>
      %select_n3A_95 = arith.select %gt3A, %gather3A, %select_n3A : vector<16xi1>, vector<16xf32>
      %select_n3A_96 = arith.select %gt3A_94, %and3A, %broadcast_in_dim3A_24 : vector<16xi1>, vector<16xi32>
      %select_n3A_97 = arith.select %gt3A, %iota3A, %select_n3A_96 : vector<16xi1>, vector<16xi32>
      %select_n3A_98 = arith.select %gt3A, %gather3A_93, %gather3A : vector<16xi1>, vector<16xf32>
      %select_n3A_99 = arith.select %gt3A, %and3A, %iota3A : vector<16xi1>, vector<16xi32>
      %broadcast_in_dim3A_100 = arith.constant 2 : i32
      %broadcast_in_dim3A_101 = vector.broadcast %broadcast_in_dim3A_100 : i32 to vector<16xi32>
      %add3A_102 = arith.addi %broadcast_in_dim3A_101, %iota3A : vector<16xi32>
      %and3A_103 = arith.andi %add3A_102, %broadcast_in_dim3A_87 : vector<16xi32>
      %gather3A_104 = tpu.vector_load_idx %arg5[%add3A_85, %and3A_103] : memref<256x16xf32, #tpu.memory_space<vmem>>[vector<16xi32>, vector<16xi32>], vector<16xf32>,
      %gt3A_105 = arith.cmpf ogt, %gather3A_104, %select_n3A_98 : vector<16xf32>
      %gt3A_106 = arith.cmpf ogt, %gather3A_104, %select_n3A_95 : vector<16xf32>
      %select_n3A_107 = arith.select %gt3A_106, %gather3A_104, %select_n3A_95 : vector<16xi1>, vector<16xf32>
      %select_n3A_108 = arith.select %gt3A_105, %select_n3A_98, %select_n3A_107 : vector<16xi1>, vector<16xf32>
      %select_n3A_109 = arith.select %gt3A_106, %and3A_103, %select_n3A_97 : vector<16xi1>, vector<16xi32>
      %select_n3A_110 = arith.select %gt3A_105, %select_n3A_99, %select_n3A_109 : vector<16xi1>, vector<16xi32>
      %select_n3A_111 = arith.select %gt3A_105, %gather3A_104, %select_n3A_98 : vector<16xi1>, vector<16xf32>
      %select_n3A_112 = arith.select %gt3A_105, %and3A_103, %select_n3A_99 : vector<16xi1>, vector<16xi32>
      %broadcast_in_dim3A_113 = arith.constant 3 : i32
      %broadcast_in_dim3A_114 = vector.broadcast %broadcast_in_dim3A_113 : i32 to vector<16xi32>
      %add3A_115 = arith.addi %broadcast_in_dim3A_114, %iota3A : vector<16xi32>
      %and3A_116 = arith.andi %add3A_115, %broadcast_in_dim3A_87 : vector<16xi32>
      %gather3A_117 = tpu.vector_load_idx %arg5[%add3A_85, %and3A_116] : memref<256x16xf32, #tpu.memory_space<vmem>>[vector<16xi32>, vector<16xi32>], vector<16xf32>,
      %gt3A_118 = arith.cmpf ogt, %gather3A_117, %select_n3A_111 : vector<16xf32>
      %gt3A_119 = arith.cmpf ogt, %gather3A_117, %select_n3A_108 : vector<16xf32>
      %select_n3A_120 = arith.select %gt3A_119, %gather3A_117, %select_n3A_108 : vector<16xi1>, vector<16xf32>
      %select_n3A_121 = arith.select %gt3A_118, %select_n3A_111, %select_n3A_120 : vector<16xi1>, vector<16xf32>
      %select_n3A_122 = arith.select %gt3A_119, %and3A_116, %select_n3A_110 : vector<16xi1>, vector<16xi32>
      %select_n3A_123 = arith.select %gt3A_118, %select_n3A_112, %select_n3A_122 : vector<16xi1>, vector<16xi32>
      %select_n3A_124 = arith.select %gt3A_118, %gather3A_117, %select_n3A_111 : vector<16xi1>, vector<16xf32>
      %select_n3A_125 = arith.select %gt3A_118, %and3A_116, %select_n3A_112 : vector<16xi1>, vector<16xi32>
      %broadcast_in_dim3A_126 = arith.constant 4 : i32
      %broadcast_in_dim3A_127 = vector.broadcast %broadcast_in_dim3A_126 : i32 to vector<16xi32>
      %add3A_128 = arith.addi %broadcast_in_dim3A_127, %iota3A : vector<16xi32>
      %and3A_129 = arith.andi %add3A_128, %broadcast_in_dim3A_87 : vector<16xi32>
      %gather3A_130 = tpu.vector_load_idx %arg5[%add3A_85, %and3A_129] : memref<256x16xf32, #tpu.memory_space<vmem>>[vector<16xi32>, vector<16xi32>], vector<16xf32>,
      %gt3A_131 = arith.cmpf ogt, %gather3A_130, %select_n3A_124 : vector<16xf32>
      %gt3A_132 = arith.cmpf ogt, %gather3A_130, %select_n3A_121 : vector<16xf32>
      %select_n3A_133 = arith.select %gt3A_132, %gather3A_130, %select_n3A_121 : vector<16xi1>, vector<16xf32>
      %select_n3A_134 = arith.select %gt3A_131, %select_n3A_124, %select_n3A_133 : vector<16xi1>, vector<16xf32>
      %select_n3A_135 = arith.select %gt3A_132, %and3A_129, %select_n3A_123 : vector<16xi1>, vector<16xi32>
      %select_n3A_136 = arith.select %gt3A_131, %select_n3A_125, %select_n3A_135 : vector<16xi1>, vector<16xi32>
      %select_n3A_137 = arith.select %gt3A_131, %gather3A_130, %select_n3A_124 : vector<16xi1>, vector<16xf32>
      %select_n3A_138 = arith.select %gt3A_131, %and3A_129, %select_n3A_125 : vector<16xi1>, vector<16xi32>
      %broadcast_in_dim3A_139 = arith.constant 5 : i32
      %broadcast_in_dim3A_140 = vector.broadcast %broadcast_in_dim3A_139 : i32 to vector<16xi32>
      %add3A_141 = arith.addi %broadcast_in_dim3A_140, %iota3A : vector<16xi32>
      %and3A_142 = arith.andi %add3A_141, %broadcast_in_dim3A_87 : vector<16xi32>
      %gather3A_143 = tpu.vector_load_idx %arg5[%add3A_85, %and3A_142] : memref<256x16xf32, #tpu.memory_space<vmem>>[vector<16xi32>, vector<16xi32>], vector<16xf32>,
      %gt3A_144 = arith.cmpf ogt, %gather3A_143, %select_n3A_137 : vector<16xf32>
      %gt3A_145 = arith.cmpf ogt, %gather3A_143, %select_n3A_134 : vector<16xf32>
      %select_n3A_146 = arith.select %gt3A_145, %gather3A_143, %select_n3A_134 : vector<16xi1>, vector<16xf32>
      %select_n3A_147 = arith.select %gt3A_144, %select_n3A_137, %select_n3A_146 : vector<16xi1>, vector<16xf32>
      %select_n3A_148 = arith.select %gt3A_145, %and3A_142, %select_n3A_136 : vector<16xi1>, vector<16xi32>
      %select_n3A_149 = arith.select %gt3A_144, %select_n3A_138, %select_n3A_148 : vector<16xi1>, vector<16xi32>
      %select_n3A_150 = arith.select %gt3A_144, %gather3A_143, %select_n3A_137 : vector<16xi1>, vector<16xf32>
      %select_n3A_151 = arith.select %gt3A_144, %and3A_142, %select_n3A_138 : vector<16xi1>, vector<16xi32>
      %broadcast_in_dim3A_152 = arith.constant 6 : i32
      %broadcast_in_dim3A_153 = vector.broadcast %broadcast_in_dim3A_152 : i32 to vector<16xi32>
      %add3A_154 = arith.addi %broadcast_in_dim3A_153, %iota3A : vector<16xi32>
      %and3A_155 = arith.andi %add3A_154, %broadcast_in_dim3A_87 : vector<16xi32>
      %gather3A_156 = tpu.vector_load_idx %arg5[%add3A_85, %and3A_155] : memref<256x16xf32, #tpu.memory_space<vmem>>[vector<16xi32>, vector<16xi32>], vector<16xf32>,
      %gt3A_157 = arith.cmpf ogt, %gather3A_156, %select_n3A_150 : vector<16xf32>
      %gt3A_158 = arith.cmpf ogt, %gather3A_156, %select_n3A_147 : vector<16xf32>
      %select_n3A_159 = arith.select %gt3A_158, %gather3A_156, %select_n3A_147 : vector<16xi1>, vector<16xf32>
      %select_n3A_160 = arith.select %gt3A_157, %select_n3A_150, %select_n3A_159 : vector<16xi1>, vector<16xf32>
      %select_n3A_161 = arith.select %gt3A_158, %and3A_155, %select_n3A_149 : vector<16xi1>, vector<16xi32>
      %select_n3A_162 = arith.select %gt3A_157, %select_n3A_151, %select_n3A_161 : vector<16xi1>, vector<16xi32>
      %select_n3A_163 = arith.select %gt3A_157, %gather3A_156, %select_n3A_150 : vector<16xi1>, vector<16xf32>
      %select_n3A_164 = arith.select %gt3A_157, %and3A_155, %select_n3A_151 : vector<16xi1>, vector<16xi32>
      %broadcast_in_dim3A_165 = arith.constant 7 : i32
      %broadcast_in_dim3A_166 = vector.broadcast %broadcast_in_dim3A_165 : i32 to vector<16xi32>
      %add3A_167 = arith.addi %broadcast_in_dim3A_166, %iota3A : vector<16xi32>
      %and3A_168 = arith.andi %add3A_167, %broadcast_in_dim3A_87 : vector<16xi32>
      %gather3A_169 = tpu.vector_load_idx %arg5[%add3A_85, %and3A_168] : memref<256x16xf32, #tpu.memory_space<vmem>>[vector<16xi32>, vector<16xi32>], vector<16xf32>,
      %gt3A_170 = arith.cmpf ogt, %gather3A_169, %select_n3A_163 : vector<16xf32>
      %gt3A_171 = arith.cmpf ogt, %gather3A_169, %select_n3A_160 : vector<16xf32>
      %select_n3A_172 = arith.select %gt3A_171, %gather3A_169, %select_n3A_160 : vector<16xi1>, vector<16xf32>
      %select_n3A_173 = arith.select %gt3A_170, %select_n3A_163, %select_n3A_172 : vector<16xi1>, vector<16xf32>
      %select_n3A_174 = arith.select %gt3A_171, %and3A_168, %select_n3A_162 : vector<16xi1>, vector<16xi32>
      %select_n3A_175 = arith.select %gt3A_170, %select_n3A_164, %select_n3A_174 : vector<16xi1>, vector<16xi32>
      %select_n3A_176 = arith.select %gt3A_170, %gather3A_169, %select_n3A_163 : vector<16xi1>, vector<16xf32>
      %select_n3A_177 = arith.select %gt3A_170, %and3A_168, %select_n3A_164 : vector<16xi1>, vector<16xi32>
      %broadcast_in_dim3A_178 = arith.constant 8 : i32
      %broadcast_in_dim3A_179 = vector.broadcast %broadcast_in_dim3A_178 : i32 to vector<16xi32>
      %add3A_180 = arith.addi %broadcast_in_dim3A_179, %iota3A : vector<16xi32>
      %and3A_181 = arith.andi %add3A_180, %broadcast_in_dim3A_87 : vector<16xi32>
      %gather3A_182 = tpu.vector_load_idx %arg5[%add3A_85, %and3A_181] : memref<256x16xf32, #tpu.memory_space<vmem>>[vector<16xi32>, vector<16xi32>], vector<16xf32>,
      %gt3A_183 = arith.cmpf ogt, %gather3A_182, %select_n3A_176 : vector<16xf32>
      %gt3A_184 = arith.cmpf ogt, %gather3A_182, %select_n3A_173 : vector<16xf32>
      %select_n3A_185 = arith.select %gt3A_184, %gather3A_182, %select_n3A_173 : vector<16xi1>, vector<16xf32>
      %select_n3A_186 = arith.select %gt3A_183, %select_n3A_176, %select_n3A_185 : vector<16xi1>, vector<16xf32>
      %select_n3A_187 = arith.select %gt3A_184, %and3A_181, %select_n3A_175 : vector<16xi1>, vector<16xi32>
      %select_n3A_188 = arith.select %gt3A_183, %select_n3A_177, %select_n3A_187 : vector<16xi1>, vector<16xi32>
      %select_n3A_189 = arith.select %gt3A_183, %gather3A_182, %select_n3A_176 : vector<16xi1>, vector<16xf32>
      %select_n3A_190 = arith.select %gt3A_183, %and3A_181, %select_n3A_177 : vector<16xi1>, vector<16xi32>
      %broadcast_in_dim3A_191 = arith.constant 9 : i32
      %broadcast_in_dim3A_192 = vector.broadcast %broadcast_in_dim3A_191 : i32 to vector<16xi32>
      %add3A_193 = arith.addi %broadcast_in_dim3A_192, %iota3A : vector<16xi32>
      %and3A_194 = arith.andi %add3A_193, %broadcast_in_dim3A_87 : vector<16xi32>
      %gather3A_195 = tpu.vector_load_idx %arg5[%add3A_85, %and3A_194] : memref<256x16xf32, #tpu.memory_space<vmem>>[vector<16xi32>, vector<16xi32>], vector<16xf32>,
      %gt3A_196 = arith.cmpf ogt, %gather3A_195, %select_n3A_189 : vector<16xf32>
      %gt3A_197 = arith.cmpf ogt, %gather3A_195, %select_n3A_186 : vector<16xf32>
      %select_n3A_198 = arith.select %gt3A_197, %gather3A_195, %select_n3A_186 : vector<16xi1>, vector<16xf32>
      %select_n3A_199 = arith.select %gt3A_196, %select_n3A_189, %select_n3A_198 : vector<16xi1>, vector<16xf32>
      %select_n3A_200 = arith.select %gt3A_197, %and3A_194, %select_n3A_188 : vector<16xi1>, vector<16xi32>
      %select_n3A_201 = arith.select %gt3A_196, %select_n3A_190, %select_n3A_200 : vector<16xi1>, vector<16xi32>
      %select_n3A_202 = arith.select %gt3A_196, %gather3A_195, %select_n3A_189 : vector<16xi1>, vector<16xf32>
      %select_n3A_203 = arith.select %gt3A_196, %and3A_194, %select_n3A_190 : vector<16xi1>, vector<16xi32>
      %broadcast_in_dim3A_204 = arith.constant 10 : i32
      %broadcast_in_dim3A_205 = vector.broadcast %broadcast_in_dim3A_204 : i32 to vector<16xi32>
      %add3A_206 = arith.addi %broadcast_in_dim3A_205, %iota3A : vector<16xi32>
      %and3A_207 = arith.andi %add3A_206, %broadcast_in_dim3A_87 : vector<16xi32>
      %gather3A_208 = tpu.vector_load_idx %arg5[%add3A_85, %and3A_207] : memref<256x16xf32, #tpu.memory_space<vmem>>[vector<16xi32>, vector<16xi32>], vector<16xf32>,
      %gt3A_209 = arith.cmpf ogt, %gather3A_208, %select_n3A_202 : vector<16xf32>
      %gt3A_210 = arith.cmpf ogt, %gather3A_208, %select_n3A_199 : vector<16xf32>
      %select_n3A_211 = arith.select %gt3A_210, %gather3A_208, %select_n3A_199 : vector<16xi1>, vector<16xf32>
      %select_n3A_212 = arith.select %gt3A_209, %select_n3A_202, %select_n3A_211 : vector<16xi1>, vector<16xf32>
      %select_n3A_213 = arith.select %gt3A_210, %and3A_207, %select_n3A_201 : vector<16xi1>, vector<16xi32>
      %select_n3A_214 = arith.select %gt3A_209, %select_n3A_203, %select_n3A_213 : vector<16xi1>, vector<16xi32>
      %select_n3A_215 = arith.select %gt3A_209, %gather3A_208, %select_n3A_202 : vector<16xi1>, vector<16xf32>
      %select_n3A_216 = arith.select %gt3A_209, %and3A_207, %select_n3A_203 : vector<16xi1>, vector<16xi32>
      %broadcast_in_dim3A_217 = arith.constant 11 : i32
      %broadcast_in_dim3A_218 = vector.broadcast %broadcast_in_dim3A_217 : i32 to vector<16xi32>
      %add3A_219 = arith.addi %broadcast_in_dim3A_218, %iota3A : vector<16xi32>
      %and3A_220 = arith.andi %add3A_219, %broadcast_in_dim3A_87 : vector<16xi32>
      %gather3A_221 = tpu.vector_load_idx %arg5[%add3A_85, %and3A_220] : memref<256x16xf32, #tpu.memory_space<vmem>>[vector<16xi32>, vector<16xi32>], vector<16xf32>,
      %gt3A_222 = arith.cmpf ogt, %gather3A_221, %select_n3A_215 : vector<16xf32>
      %gt3A_223 = arith.cmpf ogt, %gather3A_221, %select_n3A_212 : vector<16xf32>
      %select_n3A_224 = arith.select %gt3A_223, %gather3A_221, %select_n3A_212 : vector<16xi1>, vector<16xf32>
      %select_n3A_225 = arith.select %gt3A_222, %select_n3A_215, %select_n3A_224 : vector<16xi1>, vector<16xf32>
      %select_n3A_226 = arith.select %gt3A_223, %and3A_220, %select_n3A_214 : vector<16xi1>, vector<16xi32>
      %select_n3A_227 = arith.select %gt3A_222, %select_n3A_216, %select_n3A_226 : vector<16xi1>, vector<16xi32>
      %select_n3A_228 = arith.select %gt3A_222, %gather3A_221, %select_n3A_215 : vector<16xi1>, vector<16xf32>
      %select_n3A_229 = arith.select %gt3A_222, %and3A_220, %select_n3A_216 : vector<16xi1>, vector<16xi32>
      %broadcast_in_dim3A_230 = arith.constant 12 : i32
      %broadcast_in_dim3A_231 = vector.broadcast %broadcast_in_dim3A_230 : i32 to vector<16xi32>
      %add3A_232 = arith.addi %broadcast_in_dim3A_231, %iota3A : vector<16xi32>
      %and3A_233 = arith.andi %add3A_232, %broadcast_in_dim3A_87 : vector<16xi32>
      %gather3A_234 = tpu.vector_load_idx %arg5[%add3A_85, %and3A_233] : memref<256x16xf32, #tpu.memory_space<vmem>>[vector<16xi32>, vector<16xi32>], vector<16xf32>,
      %gt3A_235 = arith.cmpf ogt, %gather3A_234, %select_n3A_228 : vector<16xf32>
      %gt3A_236 = arith.cmpf ogt, %gather3A_234, %select_n3A_225 : vector<16xf32>
      %select_n3A_237 = arith.select %gt3A_236, %gather3A_234, %select_n3A_225 : vector<16xi1>, vector<16xf32>
      %select_n3A_238 = arith.select %gt3A_235, %select_n3A_228, %select_n3A_237 : vector<16xi1>, vector<16xf32>
      %select_n3A_239 = arith.select %gt3A_236, %and3A_233, %select_n3A_227 : vector<16xi1>, vector<16xi32>
      %select_n3A_240 = arith.select %gt3A_235, %select_n3A_229, %select_n3A_239 : vector<16xi1>, vector<16xi32>
      %select_n3A_241 = arith.select %gt3A_235, %gather3A_234, %select_n3A_228 : vector<16xi1>, vector<16xf32>
      %select_n3A_242 = arith.select %gt3A_235, %and3A_233, %select_n3A_229 : vector<16xi1>, vector<16xi32>
      %broadcast_in_dim3A_243 = arith.constant 13 : i32
      %broadcast_in_dim3A_244 = vector.broadcast %broadcast_in_dim3A_243 : i32 to vector<16xi32>
      %add3A_245 = arith.addi %broadcast_in_dim3A_244, %iota3A : vector<16xi32>
      %and3A_246 = arith.andi %add3A_245, %broadcast_in_dim3A_87 : vector<16xi32>
      %gather3A_247 = tpu.vector_load_idx %arg5[%add3A_85, %and3A_246] : memref<256x16xf32, #tpu.memory_space<vmem>>[vector<16xi32>, vector<16xi32>], vector<16xf32>,
      %gt3A_248 = arith.cmpf ogt, %gather3A_247, %select_n3A_241 : vector<16xf32>
      %gt3A_249 = arith.cmpf ogt, %gather3A_247, %select_n3A_238 : vector<16xf32>
      %select_n3A_250 = arith.select %gt3A_249, %gather3A_247, %select_n3A_238 : vector<16xi1>, vector<16xf32>
      %select_n3A_251 = arith.select %gt3A_248, %select_n3A_241, %select_n3A_250 : vector<16xi1>, vector<16xf32>
      %select_n3A_252 = arith.select %gt3A_249, %and3A_246, %select_n3A_240 : vector<16xi1>, vector<16xi32>
      %select_n3A_253 = arith.select %gt3A_248, %select_n3A_242, %select_n3A_252 : vector<16xi1>, vector<16xi32>
      %select_n3A_254 = arith.select %gt3A_248, %gather3A_247, %select_n3A_241 : vector<16xi1>, vector<16xf32>
      %select_n3A_255 = arith.select %gt3A_248, %and3A_246, %select_n3A_242 : vector<16xi1>, vector<16xi32>
      %broadcast_in_dim3A_256 = arith.constant 14 : i32
      %broadcast_in_dim3A_257 = vector.broadcast %broadcast_in_dim3A_256 : i32 to vector<16xi32>
      %add3A_258 = arith.addi %broadcast_in_dim3A_257, %iota3A : vector<16xi32>
      %and3A_259 = arith.andi %add3A_258, %broadcast_in_dim3A_87 : vector<16xi32>
      %gather3A_260 = tpu.vector_load_idx %arg5[%add3A_85, %and3A_259] : memref<256x16xf32, #tpu.memory_space<vmem>>[vector<16xi32>, vector<16xi32>], vector<16xf32>,
      %gt3A_261 = arith.cmpf ogt, %gather3A_260, %select_n3A_254 : vector<16xf32>
      %gt3A_262 = arith.cmpf ogt, %gather3A_260, %select_n3A_251 : vector<16xf32>
      %select_n3A_263 = arith.select %gt3A_262, %gather3A_260, %select_n3A_251 : vector<16xi1>, vector<16xf32>
      %select_n3A_264 = arith.select %gt3A_261, %select_n3A_254, %select_n3A_263 : vector<16xi1>, vector<16xf32>
      %select_n3A_265 = arith.select %gt3A_262, %and3A_259, %select_n3A_253 : vector<16xi1>, vector<16xi32>
      %select_n3A_266 = arith.select %gt3A_261, %select_n3A_255, %select_n3A_265 : vector<16xi1>, vector<16xi32>
      %select_n3A_267 = arith.select %gt3A_261, %gather3A_260, %select_n3A_254 : vector<16xi1>, vector<16xf32>
      %select_n3A_268 = arith.select %gt3A_261, %and3A_259, %select_n3A_255 : vector<16xi1>, vector<16xi32>
      %broadcast_in_dim3A_269 = arith.constant 15 : i32
      %broadcast_in_dim3A_270 = vector.broadcast %broadcast_in_dim3A_269 : i32 to vector<16xi32>
      %add3A_271 = arith.addi %broadcast_in_dim3A_270, %iota3A : vector<16xi32>
      %and3A_272 = arith.andi %add3A_271, %broadcast_in_dim3A_87 : vector<16xi32>
      %gather3A_273 = tpu.vector_load_idx %arg5[%add3A_85, %and3A_272] : memref<256x16xf32, #tpu.memory_space<vmem>>[vector<16xi32>, vector<16xi32>], vector<16xf32>,
      %gt3A_274 = arith.cmpf ogt, %gather3A_273, %select_n3A_267 : vector<16xf32>
      %gt3A_275 = arith.cmpf ogt, %gather3A_273, %select_n3A_264 : vector<16xf32>
      %select_n3A_276 = arith.select %gt3A_275, %gather3A_273, %select_n3A_264 : vector<16xi1>, vector<16xf32>
      %select_n3A_277 = arith.select %gt3A_274, %select_n3A_267, %select_n3A_276 : vector<16xi1>, vector<16xf32>
      %select_n3A_278 = arith.select %gt3A_275, %and3A_272, %select_n3A_266 : vector<16xi1>, vector<16xi32>
      %select_n3A_279 = arith.select %gt3A_274, %select_n3A_268, %select_n3A_278 : vector<16xi1>, vector<16xi32>
      %select_n3A_280 = arith.select %gt3A_274, %gather3A_273, %select_n3A_267 : vector<16xi1>, vector<16xf32>
      %select_n3A_281 = arith.select %gt3A_274, %and3A_272, %select_n3A_268 : vector<16xi1>, vector<16xi32>
      %sub3A = arith.subf %select_n3A_277, %select_n3A_280 : vector<16xf32>
      %exp3A = math.exp %sub3A : vector<16xf32>
      %add3A_282 = arith.addf %broadcast_in_dim3A_26, %exp3A : vector<16xf32>
      %div3A = arith.divf %broadcast_in_dim3A_26, %add3A_282 : vector<16xf32>
      %mul3A_283 = arith.mulf %exp3A, %div3A : vector<16xf32>
      %mul3A_284 = arith.constant 16 : i32
      %mul3A_285 = arith.muli %scan3A_81, %mul3A_284 : i32
      %add3A_286 = arith.constant 0 : i32
      %add3A_287 = arith.addi %mul3A_285, %add3A_286 : i32
      %swap3A = arith.index_cast %add3A_287 : i32 to index
      %swap3A_288 = arith.constant 0 : index
      %swap3A_289 = tpu.vector_load %arg6[%swap3A, %swap3A_288] {strides = array<i32>} : memref<256x16xf32, #tpu.memory_space<vmem>>, vector<16xf32>,
      tpu.vector_store %arg6[%swap3A, %swap3A_288], %broadcast_in_dim3A_28 {strides = array<i32>} : memref<256x16xf32, #tpu.memory_space<vmem>>, vector<16xf32>,
      %mul3A_290 = arith.constant 16 : i32
      %mul3A_291 = arith.muli %scan3A_81, %mul3A_290 : i32
      %add3A_292 = arith.constant 1 : i32
      %add3A_293 = arith.addi %mul3A_291, %add3A_292 : i32
      %swap3A_294 = arith.index_cast %add3A_293 : i32 to index
      %swap3A_295 = arith.constant 0 : index
      %swap3A_296 = tpu.vector_load %arg6[%swap3A_294, %swap3A_295] {strides = array<i32>} : memref<256x16xf32, #tpu.memory_space<vmem>>, vector<16xf32>,
      tpu.vector_store %arg6[%swap3A_294, %swap3A_295], %broadcast_in_dim3A_28 {strides = array<i32>} : memref<256x16xf32, #tpu.memory_space<vmem>>, vector<16xf32>,
      %mul3A_297 = arith.constant 16 : i32
      %mul3A_298 = arith.muli %scan3A_81, %mul3A_297 : i32
      %add3A_299 = arith.constant 2 : i32
      %add3A_300 = arith.addi %mul3A_298, %add3A_299 : i32
      %swap3A_301 = arith.index_cast %add3A_300 : i32 to index
      %swap3A_302 = arith.constant 0 : index
      %swap3A_303 = tpu.vector_load %arg6[%swap3A_301, %swap3A_302] {strides = array<i32>} : memref<256x16xf32, #tpu.memory_space<vmem>>, vector<16xf32>,
      tpu.vector_store %arg6[%swap3A_301, %swap3A_302], %broadcast_in_dim3A_28 {strides = array<i32>} : memref<256x16xf32, #tpu.memory_space<vmem>>, vector<16xf32>,
      %mul3A_304 = arith.constant 16 : i32
      %mul3A_305 = arith.muli %scan3A_81, %mul3A_304 : i32
      %add3A_306 = arith.constant 3 : i32
      %add3A_307 = arith.addi %mul3A_305, %add3A_306 : i32
      %swap3A_308 = arith.index_cast %add3A_307 : i32 to index
      %swap3A_309 = arith.constant 0 : index
      %swap3A_310 = tpu.vector_load %arg6[%swap3A_308, %swap3A_309] {strides = array<i32>} : memref<256x16xf32, #tpu.memory_space<vmem>>, vector<16xf32>,
      tpu.vector_store %arg6[%swap3A_308, %swap3A_309], %broadcast_in_dim3A_28 {strides = array<i32>} : memref<256x16xf32, #tpu.memory_space<vmem>>, vector<16xf32>,
      %mul3A_311 = arith.constant 16 : i32
      %mul3A_312 = arith.muli %scan3A_81, %mul3A_311 : i32
      %add3A_313 = arith.constant 4 : i32
      %add3A_314 = arith.addi %mul3A_312, %add3A_313 : i32
      %swap3A_315 = arith.index_cast %add3A_314 : i32 to index
      %swap3A_316 = arith.constant 0 : index
      %swap3A_317 = tpu.vector_load %arg6[%swap3A_315, %swap3A_316] {strides = array<i32>} : memref<256x16xf32, #tpu.memory_space<vmem>>, vector<16xf32>,
      tpu.vector_store %arg6[%swap3A_315, %swap3A_316], %broadcast_in_dim3A_28 {strides = array<i32>} : memref<256x16xf32, #tpu.memory_space<vmem>>, vector<16xf32>,
      %mul3A_318 = arith.constant 16 : i32
      %mul3A_319 = arith.muli %scan3A_81, %mul3A_318 : i32
      %add3A_320 = arith.constant 5 : i32
      %add3A_321 = arith.addi %mul3A_319, %add3A_320 : i32
      %swap3A_322 = arith.index_cast %add3A_321 : i32 to index
      %swap3A_323 = arith.constant 0 : index
      %swap3A_324 = tpu.vector_load %arg6[%swap3A_322, %swap3A_323] {strides = array<i32>} : memref<256x16xf32, #tpu.memory_space<vmem>>, vector<16xf32>,
      tpu.vector_store %arg6[%swap3A_322, %swap3A_323], %broadcast_in_dim3A_28 {strides = array<i32>} : memref<256x16xf32, #tpu.memory_space<vmem>>, vector<16xf32>,
      %mul3A_325 = arith.constant 16 : i32
      %mul3A_326 = arith.muli %scan3A_81, %mul3A_325 : i32
      %add3A_327 = arith.constant 6 : i32
      %add3A_328 = arith.addi %mul3A_326, %add3A_327 : i32
      %swap3A_329 = arith.index_cast %add3A_328 : i32 to index
      %swap3A_330 = arith.constant 0 : index
      %swap3A_331 = tpu.vector_load %arg6[%swap3A_329, %swap3A_330] {strides = array<i32>} : memref<256x16xf32, #tpu.memory_space<vmem>>, vector<16xf32>,
      tpu.vector_store %arg6[%swap3A_329, %swap3A_330], %broadcast_in_dim3A_28 {strides = array<i32>} : memref<256x16xf32, #tpu.memory_space<vmem>>, vector<16xf32>,
      %mul3A_332 = arith.constant 16 : i32
      %mul3A_333 = arith.muli %scan3A_81, %mul3A_332 : i32
      %add3A_334 = arith.constant 7 : i32
      %add3A_335 = arith.addi %mul3A_333, %add3A_334 : i32
      %swap3A_336 = arith.index_cast %add3A_335 : i32 to index
      %swap3A_337 = arith.constant 0 : index
      %swap3A_338 = tpu.vector_load %arg6[%swap3A_336, %swap3A_337] {strides = array<i32>} : memref<256x16xf32, #tpu.memory_space<vmem>>, vector<16xf32>,
      tpu.vector_store %arg6[%swap3A_336, %swap3A_337], %broadcast_in_dim3A_28 {strides = array<i32>} : memref<256x16xf32, #tpu.memory_space<vmem>>, vector<16xf32>,
      %mul3A_339 = arith.constant 16 : i32
      %mul3A_340 = arith.muli %scan3A_81, %mul3A_339 : i32
      %add3A_341 = arith.constant 8 : i32
      %add3A_342 = arith.addi %mul3A_340, %add3A_341 : i32
      %swap3A_343 = arith.index_cast %add3A_342 : i32 to index
      %swap3A_344 = arith.constant 0 : index
      %swap3A_345 = tpu.vector_load %arg6[%swap3A_343, %swap3A_344] {strides = array<i32>} : memref<256x16xf32, #tpu.memory_space<vmem>>, vector<16xf32>,
      tpu.vector_store %arg6[%swap3A_343, %swap3A_344], %broadcast_in_dim3A_28 {strides = array<i32>} : memref<256x16xf32, #tpu.memory_space<vmem>>, vector<16xf32>,
      %mul3A_346 = arith.constant 16 : i32
      %mul3A_347 = arith.muli %scan3A_81, %mul3A_346 : i32
      %add3A_348 = arith.constant 9 : i32
      %add3A_349 = arith.addi %mul3A_347, %add3A_348 : i32
      %swap3A_350 = arith.index_cast %add3A_349 : i32 to index
      %swap3A_351 = arith.constant 0 : index
      %swap3A_352 = tpu.vector_load %arg6[%swap3A_350, %swap3A_351] {strides = array<i32>} : memref<256x16xf32, #tpu.memory_space<vmem>>, vector<16xf32>,
      tpu.vector_store %arg6[%swap3A_350, %swap3A_351], %broadcast_in_dim3A_28 {strides = array<i32>} : memref<256x16xf32, #tpu.memory_space<vmem>>, vector<16xf32>,
      %mul3A_353 = arith.constant 16 : i32
      %mul3A_354 = arith.muli %scan3A_81, %mul3A_353 : i32
      %add3A_355 = arith.constant 10 : i32
      %add3A_356 = arith.addi %mul3A_354, %add3A_355 : i32
      %swap3A_357 = arith.index_cast %add3A_356 : i32 to index
      %swap3A_358 = arith.constant 0 : index
      %swap3A_359 = tpu.vector_load %arg6[%swap3A_357, %swap3A_358] {strides = array<i32>} : memref<256x16xf32, #tpu.memory_space<vmem>>, vector<16xf32>,
      tpu.vector_store %arg6[%swap3A_357, %swap3A_358], %broadcast_in_dim3A_28 {strides = array<i32>} : memref<256x16xf32, #tpu.memory_space<vmem>>, vector<16xf32>,
      %mul3A_360 = arith.constant 16 : i32
      %mul3A_361 = arith.muli %scan3A_81, %mul3A_360 : i32
      %add3A_362 = arith.constant 11 : i32
      %add3A_363 = arith.addi %mul3A_361, %add3A_362 : i32
      %swap3A_364 = arith.index_cast %add3A_363 : i32 to index
      %swap3A_365 = arith.constant 0 : index
      %swap3A_366 = tpu.vector_load %arg6[%swap3A_364, %swap3A_365] {strides = array<i32>} : memref<256x16xf32, #tpu.memory_space<vmem>>, vector<16xf32>,
      tpu.vector_store %arg6[%swap3A_364, %swap3A_365], %broadcast_in_dim3A_28 {strides = array<i32>} : memref<256x16xf32, #tpu.memory_space<vmem>>, vector<16xf32>,
      %mul3A_367 = arith.constant 16 : i32
      %mul3A_368 = arith.muli %scan3A_81, %mul3A_367 : i32
      %add3A_369 = arith.constant 12 : i32
      %add3A_370 = arith.addi %mul3A_368, %add3A_369 : i32
      %swap3A_371 = arith.index_cast %add3A_370 : i32 to index
      %swap3A_372 = arith.constant 0 : index
      %swap3A_373 = tpu.vector_load %arg6[%swap3A_371, %swap3A_372] {strides = array<i32>} : memref<256x16xf32, #tpu.memory_space<vmem>>, vector<16xf32>,
      tpu.vector_store %arg6[%swap3A_371, %swap3A_372], %broadcast_in_dim3A_28 {strides = array<i32>} : memref<256x16xf32, #tpu.memory_space<vmem>>, vector<16xf32>,
      %mul3A_374 = arith.constant 16 : i32
      %mul3A_375 = arith.muli %scan3A_81, %mul3A_374 : i32
      %add3A_376 = arith.constant 13 : i32
      %add3A_377 = arith.addi %mul3A_375, %add3A_376 : i32
      %swap3A_378 = arith.index_cast %add3A_377 : i32 to index
      %swap3A_379 = arith.constant 0 : index
      %swap3A_380 = tpu.vector_load %arg6[%swap3A_378, %swap3A_379] {strides = array<i32>} : memref<256x16xf32, #tpu.memory_space<vmem>>, vector<16xf32>,
      tpu.vector_store %arg6[%swap3A_378, %swap3A_379], %broadcast_in_dim3A_28 {strides = array<i32>} : memref<256x16xf32, #tpu.memory_space<vmem>>, vector<16xf32>,
      %mul3A_381 = arith.constant 16 : i32
      %mul3A_382 = arith.muli %scan3A_81, %mul3A_381 : i32
      %add3A_383 = arith.constant 14 : i32
      %add3A_384 = arith.addi %mul3A_382, %add3A_383 : i32
      %swap3A_385 = arith.index_cast %add3A_384 : i32 to index
      %swap3A_386 = arith.constant 0 : index
      %swap3A_387 = tpu.vector_load %arg6[%swap3A_385, %swap3A_386] {strides = array<i32>} : memref<256x16xf32, #tpu.memory_space<vmem>>, vector<16xf32>,
      tpu.vector_store %arg6[%swap3A_385, %swap3A_386], %broadcast_in_dim3A_28 {strides = array<i32>} : memref<256x16xf32, #tpu.memory_space<vmem>>, vector<16xf32>,
      %mul3A_388 = arith.constant 16 : i32
      %mul3A_389 = arith.muli %scan3A_81, %mul3A_388 : i32
      %add3A_390 = arith.constant 15 : i32
      %add3A_391 = arith.addi %mul3A_389, %add3A_390 : i32
      %swap3A_392 = arith.index_cast %add3A_391 : i32 to index
      %swap3A_393 = arith.constant 0 : index
      %swap3A_394 = tpu.vector_load %arg6[%swap3A_392, %swap3A_393] {strides = array<i32>} : memref<256x16xf32, #tpu.memory_space<vmem>>, vector<16xf32>,
      tpu.vector_store %arg6[%swap3A_392, %swap3A_393], %broadcast_in_dim3A_28 {strides = array<i32>} : memref<256x16xf32, #tpu.memory_space<vmem>>, vector<16xf32>,
      tpu.vector_store_idx %arg6[%add3A_85, %select_n3A_281], %div3A : memref<256x16xf32, #tpu.memory_space<vmem>>[vector<16xi32>, vector<16xi32>], vector<16xf32>,
      tpu.vector_store_idx %arg6[%add3A_85, %select_n3A_279], %mul3A_283 : memref<256x16xf32, #tpu.memory_space<vmem>>[vector<16xi32>, vector<16xi32>], vector<16xf32>,
      tpu.vector_store_idx %arg7[%add3A_85, %broadcast_in_dim3A_24], %select_n3A_281 : memref<256x2xi32, #tpu.memory_space<vmem>>[vector<16xi32>, vector<16xi32>], vector<16xi32>,
      %add3A_395 = arith.constant 1 : i32
      %add3A_396 = vector.broadcast %add3A_395 : i32 to vector<16xi32>
      %add3A_397 = arith.addi %broadcast_in_dim3A_24, %add3A_396 : vector<16xi32>
      tpu.vector_store_idx %arg7[%add3A_85, %add3A_397], %select_n3A_279 : memref<256x2xi32, #tpu.memory_space<vmem>>[vector<16xi32>, vector<16xi32>], vector<16xi32>,
    }
    %scan3A_42 = arith.constant 8 : i32
    %dma_start3A_43 = arith.constant 0 : i32
    %dma_start3A_44 = arith.constant 0 : i32
    %dma_start3A_45 = tpu.memref_slice %arg6[%dma_start3A_43, %dma_start3A_44] : memref<256x16xf32, #tpu.memory_space<vmem>> -> memref<128x16xf32, #tpu.memory_space<vmem>>
    %dma_start3A_46 = arith.constant 0 : i32
    %dma_start3A_47 = tpu.memref_slice %arg3[%mul3A_2, %dma_start3A_46] : memref<8192x16xf32, #tpu.memory_space<hbm>> -> memref<128x16xf32, #tpu.memory_space<hbm>>
    %dma_start3A_48 = arith.constant 0 : i32
    %dma_start3A_49 = tpu.memref_slice %arg3[%mul3A_2, %dma_start3A_48] : memref<8192x16xf32, #tpu.memory_space<hbm>> -> memref<128x16xf32, #tpu.memory_space<hbm>>
    %dma_start3A_50 = arith.constant 0 : i32
    %dma_start3A_51 = arith.constant 0 : i32
    %dma_start3A_52 = tpu.memref_slice %arg6[%dma_start3A_50, %dma_start3A_51] : memref<256x16xf32, #tpu.memory_space<vmem>> -> memref<128x16xf32, #tpu.memory_space<vmem>>
    tpu.enqueue_dma source(%dma_start3A_52 : memref<128x16xf32, #tpu.memory_space<vmem>>) target(%dma_start3A_49 : memref<128x16xf32, #tpu.memory_space<hbm>>) target_semaphore(%arg9 : memref<!tpu.dma_semaphore, #tpu.memory_space<semaphore_mem>>)
    %dma_wait3A_53 = arith.constant 128 : i32
    %dma_wait3A_54 = arith.constant 0 : i32
    %dma_wait3A_55 = tpu.memref_slice %arg5[%dma_wait3A_53, %dma_wait3A_54] : memref<256x16xf32, #tpu.memory_space<vmem>> -> memref<128x16xf32, #tpu.memory_space<vmem>>
    %dma_wait3A_56 = arith.constant 0 : i32
    %dma_wait3A_57 = tpu.memref_slice %arg2[%add3A_13, %dma_wait3A_56] : memref<8192x16xf32, #tpu.memory_space<hbm>> -> memref<128x16xf32, #tpu.memory_space<hbm>>
    %dma_wait3A_58 = arith.constant 128 : i32
    %dma_wait3A_59 = arith.constant 0 : i32
    %dma_wait3A_60 = tpu.memref_slice %arg5[%dma_wait3A_58, %dma_wait3A_59] : memref<256x16xf32, #tpu.memory_space<vmem>> -> memref<128x16xf32, #tpu.memory_space<vmem>>
    %dma_wait3A_61 = arith.constant 0 : i32
    %dma_wait3A_62 = tpu.memref_slice %arg2[%add3A_13, %dma_wait3A_61] : memref<8192x16xf32, #tpu.memory_space<hbm>> -> memref<128x16xf32, #tpu.memory_space<hbm>>
    tpu.wait_dma2 semaphore(%arg8 : memref<!tpu.dma_semaphore, #tpu.memory_space<semaphore_mem>>) src(%dma_wait3A_62 : memref<128x16xf32, #tpu.memory_space<hbm>>) dst(%dma_wait3A_60 : memref<128x16xf32, #tpu.memory_space<vmem>>)
    %scan3A_63 = arith.constant 0 : i32
    %scan3A_64 = arith.constant 8 : i32
    %scan3A_65 = arith.constant 8 : i32
    %scan3A_66 = arith.addi %scan3A_64, %scan3A_65 : i32
    %scan3A_67 = arith.constant 1 : i32
    scf.for %scan3A_81 = %scan3A_64 to %scan3A_66 step %scan3A_67  : i32 {
      %mul3A_82 = arith.constant 16 : i32
      %mul3A_83 = arith.muli %scan3A_81, %mul3A_82 : i32
      %broadcast_in_dim3A_84 = vector.broadcast %mul3A_83 : i32 to vector<16xi32>
      %add3A_85 = arith.addi %iota3A, %broadcast_in_dim3A_84 : vector<16xi32>
      %broadcast_in_dim3A_86 = arith.constant 15 : i32
      %broadcast_in_dim3A_87 = vector.broadcast %broadcast_in_dim3A_86 : i32 to vector<16xi32>
      %gather3A = tpu.vector_load_idx %arg5[%add3A_85, %iota3A] : memref<256x16xf32, #tpu.memory_space<vmem>>[vector<16xi32>, vector<16xi32>], vector<16xf32>,
      %broadcast_in_dim3A_88 = arith.constant 0xFF800000 : f32
      %broadcast_in_dim3A_89 = vector.broadcast %broadcast_in_dim3A_88 : f32 to vector<16xf32>
      %broadcast_in_dim3A_90 = arith.constant 1 : i32
      %broadcast_in_dim3A_91 = vector.broadcast %broadcast_in_dim3A_90 : i32 to vector<16xi32>
      %add3A_92 = arith.addi %broadcast_in_dim3A_91, %iota3A : vector<16xi32>
      %and3A = arith.andi %add3A_92, %broadcast_in_dim3A_87 : vector<16xi32>
      %gather3A_93 = tpu.vector_load_idx %arg5[%add3A_85, %and3A] : memref<256x16xf32, #tpu.memory_space<vmem>>[vector<16xi32>, vector<16xi32>], vector<16xf32>,
      %gt3A = arith.cmpf ogt, %gather3A_93, %gather3A : vector<16xf32>
      %gt3A_94 = arith.cmpf ogt, %gather3A_93, %broadcast_in_dim3A_89 : vector<16xf32>
      %select_n3A = arith.select %gt3A_94, %gather3A_93, %broadcast_in_dim3A_89 : vector<16xi1>, vector<16xf32>
      %select_n3A_95 = arith.select %gt3A, %gather3A, %select_n3A : vector<16xi1>, vector<16xf32>
      %select_n3A_96 = arith.select %gt3A_94, %and3A, %broadcast_in_dim3A_24 : vector<16xi1>, vector<16xi32>
      %select_n3A_97 = arith.select %gt3A, %iota3A, %select_n3A_96 : vector<16xi1>, vector<16xi32>
      %select_n3A_98 = arith.select %gt3A, %gather3A_93, %gather3A : vector<16xi1>, vector<16xf32>
      %select_n3A_99 = arith.select %gt3A, %and3A, %iota3A : vector<16xi1>, vector<16xi32>
      %broadcast_in_dim3A_100 = arith.constant 2 : i32
      %broadcast_in_dim3A_101 = vector.broadcast %broadcast_in_dim3A_100 : i32 to vector<16xi32>
      %add3A_102 = arith.addi %broadcast_in_dim3A_101, %iota3A : vector<16xi32>
      %and3A_103 = arith.andi %add3A_102, %broadcast_in_dim3A_87 : vector<16xi32>
      %gather3A_104 = tpu.vector_load_idx %arg5[%add3A_85, %and3A_103] : memref<256x16xf32, #tpu.memory_space<vmem>>[vector<16xi32>, vector<16xi32>], vector<16xf32>,
      %gt3A_105 = arith.cmpf ogt, %gather3A_104, %select_n3A_98 : vector<16xf32>
      %gt3A_106 = arith.cmpf ogt, %gather3A_104, %select_n3A_95 : vector<16xf32>
      %select_n3A_107 = arith.select %gt3A_106, %gather3A_104, %select_n3A_95 : vector<16xi1>, vector<16xf32>
      %select_n3A_108 = arith.select %gt3A_105, %select_n3A_98, %select_n3A_107 : vector<16xi1>, vector<16xf32>
      %select_n3A_109 = arith.select %gt3A_106, %and3A_103, %select_n3A_97 : vector<16xi1>, vector<16xi32>
      %select_n3A_110 = arith.select %gt3A_105, %select_n3A_99, %select_n3A_109 : vector<16xi1>, vector<16xi32>
      %select_n3A_111 = arith.select %gt3A_105, %gather3A_104, %select_n3A_98 : vector<16xi1>, vector<16xf32>
      %select_n3A_112 = arith.select %gt3A_105, %and3A_103, %select_n3A_99 : vector<16xi1>, vector<16xi32>
      %broadcast_in_dim3A_113 = arith.constant 3 : i32
      %broadcast_in_dim3A_114 = vector.broadcast %broadcast_in_dim3A_113 : i32 to vector<16xi32>
      %add3A_115 = arith.addi %broadcast_in_dim3A_114, %iota3A : vector<16xi32>
      %and3A_116 = arith.andi %add3A_115, %broadcast_in_dim3A_87 : vector<16xi32>
      %gather3A_117 = tpu.vector_load_idx %arg5[%add3A_85, %and3A_116] : memref<256x16xf32, #tpu.memory_space<vmem>>[vector<16xi32>, vector<16xi32>], vector<16xf32>,
      %gt3A_118 = arith.cmpf ogt, %gather3A_117, %select_n3A_111 : vector<16xf32>
      %gt3A_119 = arith.cmpf ogt, %gather3A_117, %select_n3A_108 : vector<16xf32>
      %select_n3A_120 = arith.select %gt3A_119, %gather3A_117, %select_n3A_108 : vector<16xi1>, vector<16xf32>
      %select_n3A_121 = arith.select %gt3A_118, %select_n3A_111, %select_n3A_120 : vector<16xi1>, vector<16xf32>
      %select_n3A_122 = arith.select %gt3A_119, %and3A_116, %select_n3A_110 : vector<16xi1>, vector<16xi32>
      %select_n3A_123 = arith.select %gt3A_118, %select_n3A_112, %select_n3A_122 : vector<16xi1>, vector<16xi32>
      %select_n3A_124 = arith.select %gt3A_118, %gather3A_117, %select_n3A_111 : vector<16xi1>, vector<16xf32>
      %select_n3A_125 = arith.select %gt3A_118, %and3A_116, %select_n3A_112 : vector<16xi1>, vector<16xi32>
      %broadcast_in_dim3A_126 = arith.constant 4 : i32
      %broadcast_in_dim3A_127 = vector.broadcast %broadcast_in_dim3A_126 : i32 to vector<16xi32>
      %add3A_128 = arith.addi %broadcast_in_dim3A_127, %iota3A : vector<16xi32>
      %and3A_129 = arith.andi %add3A_128, %broadcast_in_dim3A_87 : vector<16xi32>
      %gather3A_130 = tpu.vector_load_idx %arg5[%add3A_85, %and3A_129] : memref<256x16xf32, #tpu.memory_space<vmem>>[vector<16xi32>, vector<16xi32>], vector<16xf32>,
      %gt3A_131 = arith.cmpf ogt, %gather3A_130, %select_n3A_124 : vector<16xf32>
      %gt3A_132 = arith.cmpf ogt, %gather3A_130, %select_n3A_121 : vector<16xf32>
      %select_n3A_133 = arith.select %gt3A_132, %gather3A_130, %select_n3A_121 : vector<16xi1>, vector<16xf32>
      %select_n3A_134 = arith.select %gt3A_131, %select_n3A_124, %select_n3A_133 : vector<16xi1>, vector<16xf32>
      %select_n3A_135 = arith.select %gt3A_132, %and3A_129, %select_n3A_123 : vector<16xi1>, vector<16xi32>
      %select_n3A_136 = arith.select %gt3A_131, %select_n3A_125, %select_n3A_135 : vector<16xi1>, vector<16xi32>
      %select_n3A_137 = arith.select %gt3A_131, %gather3A_130, %select_n3A_124 : vector<16xi1>, vector<16xf32>
      %select_n3A_138 = arith.select %gt3A_131, %and3A_129, %select_n3A_125 : vector<16xi1>, vector<16xi32>
      %broadcast_in_dim3A_139 = arith.constant 5 : i32
      %broadcast_in_dim3A_140 = vector.broadcast %broadcast_in_dim3A_139 : i32 to vector<16xi32>
      %add3A_141 = arith.addi %broadcast_in_dim3A_140, %iota3A : vector<16xi32>
      %and3A_142 = arith.andi %add3A_141, %broadcast_in_dim3A_87 : vector<16xi32>
      %gather3A_143 = tpu.vector_load_idx %arg5[%add3A_85, %and3A_142] : memref<256x16xf32, #tpu.memory_space<vmem>>[vector<16xi32>, vector<16xi32>], vector<16xf32>,
      %gt3A_144 = arith.cmpf ogt, %gather3A_143, %select_n3A_137 : vector<16xf32>
      %gt3A_145 = arith.cmpf ogt, %gather3A_143, %select_n3A_134 : vector<16xf32>
      %select_n3A_146 = arith.select %gt3A_145, %gather3A_143, %select_n3A_134 : vector<16xi1>, vector<16xf32>
      %select_n3A_147 = arith.select %gt3A_144, %select_n3A_137, %select_n3A_146 : vector<16xi1>, vector<16xf32>
      %select_n3A_148 = arith.select %gt3A_145, %and3A_142, %select_n3A_136 : vector<16xi1>, vector<16xi32>
      %select_n3A_149 = arith.select %gt3A_144, %select_n3A_138, %select_n3A_148 : vector<16xi1>, vector<16xi32>
      %select_n3A_150 = arith.select %gt3A_144, %gather3A_143, %select_n3A_137 : vector<16xi1>, vector<16xf32>
      %select_n3A_151 = arith.select %gt3A_144, %and3A_142, %select_n3A_138 : vector<16xi1>, vector<16xi32>
      %broadcast_in_dim3A_152 = arith.constant 6 : i32
      %broadcast_in_dim3A_153 = vector.broadcast %broadcast_in_dim3A_152 : i32 to vector<16xi32>
      %add3A_154 = arith.addi %broadcast_in_dim3A_153, %iota3A : vector<16xi32>
      %and3A_155 = arith.andi %add3A_154, %broadcast_in_dim3A_87 : vector<16xi32>
      %gather3A_156 = tpu.vector_load_idx %arg5[%add3A_85, %and3A_155] : memref<256x16xf32, #tpu.memory_space<vmem>>[vector<16xi32>, vector<16xi32>], vector<16xf32>,
      %gt3A_157 = arith.cmpf ogt, %gather3A_156, %select_n3A_150 : vector<16xf32>
      %gt3A_158 = arith.cmpf ogt, %gather3A_156, %select_n3A_147 : vector<16xf32>
      %select_n3A_159 = arith.select %gt3A_158, %gather3A_156, %select_n3A_147 : vector<16xi1>, vector<16xf32>
      %select_n3A_160 = arith.select %gt3A_157, %select_n3A_150, %select_n3A_159 : vector<16xi1>, vector<16xf32>
      %select_n3A_161 = arith.select %gt3A_158, %and3A_155, %select_n3A_149 : vector<16xi1>, vector<16xi32>
      %select_n3A_162 = arith.select %gt3A_157, %select_n3A_151, %select_n3A_161 : vector<16xi1>, vector<16xi32>
      %select_n3A_163 = arith.select %gt3A_157, %gather3A_156, %select_n3A_150 : vector<16xi1>, vector<16xf32>
      %select_n3A_164 = arith.select %gt3A_157, %and3A_155, %select_n3A_151 : vector<16xi1>, vector<16xi32>
      %broadcast_in_dim3A_165 = arith.constant 7 : i32
      %broadcast_in_dim3A_166 = vector.broadcast %broadcast_in_dim3A_165 : i32 to vector<16xi32>
      %add3A_167 = arith.addi %broadcast_in_dim3A_166, %iota3A : vector<16xi32>
      %and3A_168 = arith.andi %add3A_167, %broadcast_in_dim3A_87 : vector<16xi32>
      %gather3A_169 = tpu.vector_load_idx %arg5[%add3A_85, %and3A_168] : memref<256x16xf32, #tpu.memory_space<vmem>>[vector<16xi32>, vector<16xi32>], vector<16xf32>,
      %gt3A_170 = arith.cmpf ogt, %gather3A_169, %select_n3A_163 : vector<16xf32>
      %gt3A_171 = arith.cmpf ogt, %gather3A_169, %select_n3A_160 : vector<16xf32>
      %select_n3A_172 = arith.select %gt3A_171, %gather3A_169, %select_n3A_160 : vector<16xi1>, vector<16xf32>
      %select_n3A_173 = arith.select %gt3A_170, %select_n3A_163, %select_n3A_172 : vector<16xi1>, vector<16xf32>
      %select_n3A_174 = arith.select %gt3A_171, %and3A_168, %select_n3A_162 : vector<16xi1>, vector<16xi32>
      %select_n3A_175 = arith.select %gt3A_170, %select_n3A_164, %select_n3A_174 : vector<16xi1>, vector<16xi32>
      %select_n3A_176 = arith.select %gt3A_170, %gather3A_169, %select_n3A_163 : vector<16xi1>, vector<16xf32>
      %select_n3A_177 = arith.select %gt3A_170, %and3A_168, %select_n3A_164 : vector<16xi1>, vector<16xi32>
      %broadcast_in_dim3A_178 = arith.constant 8 : i32
      %broadcast_in_dim3A_179 = vector.broadcast %broadcast_in_dim3A_178 : i32 to vector<16xi32>
      %add3A_180 = arith.addi %broadcast_in_dim3A_179, %iota3A : vector<16xi32>
      %and3A_181 = arith.andi %add3A_180, %broadcast_in_dim3A_87 : vector<16xi32>
      %gather3A_182 = tpu.vector_load_idx %arg5[%add3A_85, %and3A_181] : memref<256x16xf32, #tpu.memory_space<vmem>>[vector<16xi32>, vector<16xi32>], vector<16xf32>,
      %gt3A_183 = arith.cmpf ogt, %gather3A_182, %select_n3A_176 : vector<16xf32>
      %gt3A_184 = arith.cmpf ogt, %gather3A_182, %select_n3A_173 : vector<16xf32>
      %select_n3A_185 = arith.select %gt3A_184, %gather3A_182, %select_n3A_173 : vector<16xi1>, vector<16xf32>
      %select_n3A_186 = arith.select %gt3A_183, %select_n3A_176, %select_n3A_185 : vector<16xi1>, vector<16xf32>
      %select_n3A_187 = arith.select %gt3A_184, %and3A_181, %select_n3A_175 : vector<16xi1>, vector<16xi32>
      %select_n3A_188 = arith.select %gt3A_183, %select_n3A_177, %select_n3A_187 : vector<16xi1>, vector<16xi32>
      %select_n3A_189 = arith.select %gt3A_183, %gather3A_182, %select_n3A_176 : vector<16xi1>, vector<16xf32>
      %select_n3A_190 = arith.select %gt3A_183, %and3A_181, %select_n3A_177 : vector<16xi1>, vector<16xi32>
      %broadcast_in_dim3A_191 = arith.constant 9 : i32
      %broadcast_in_dim3A_192 = vector.broadcast %broadcast_in_dim3A_191 : i32 to vector<16xi32>
      %add3A_193 = arith.addi %broadcast_in_dim3A_192, %iota3A : vector<16xi32>
      %and3A_194 = arith.andi %add3A_193, %broadcast_in_dim3A_87 : vector<16xi32>
      %gather3A_195 = tpu.vector_load_idx %arg5[%add3A_85, %and3A_194] : memref<256x16xf32, #tpu.memory_space<vmem>>[vector<16xi32>, vector<16xi32>], vector<16xf32>,
      %gt3A_196 = arith.cmpf ogt, %gather3A_195, %select_n3A_189 : vector<16xf32>
      %gt3A_197 = arith.cmpf ogt, %gather3A_195, %select_n3A_186 : vector<16xf32>
      %select_n3A_198 = arith.select %gt3A_197, %gather3A_195, %select_n3A_186 : vector<16xi1>, vector<16xf32>
      %select_n3A_199 = arith.select %gt3A_196, %select_n3A_189, %select_n3A_198 : vector<16xi1>, vector<16xf32>
      %select_n3A_200 = arith.select %gt3A_197, %and3A_194, %select_n3A_188 : vector<16xi1>, vector<16xi32>
      %select_n3A_201 = arith.select %gt3A_196, %select_n3A_190, %select_n3A_200 : vector<16xi1>, vector<16xi32>
      %select_n3A_202 = arith.select %gt3A_196, %gather3A_195, %select_n3A_189 : vector<16xi1>, vector<16xf32>
      %select_n3A_203 = arith.select %gt3A_196, %and3A_194, %select_n3A_190 : vector<16xi1>, vector<16xi32>
      %broadcast_in_dim3A_204 = arith.constant 10 : i32
      %broadcast_in_dim3A_205 = vector.broadcast %broadcast_in_dim3A_204 : i32 to vector<16xi32>
      %add3A_206 = arith.addi %broadcast_in_dim3A_205, %iota3A : vector<16xi32>
      %and3A_207 = arith.andi %add3A_206, %broadcast_in_dim3A_87 : vector<16xi32>
      %gather3A_208 = tpu.vector_load_idx %arg5[%add3A_85, %and3A_207] : memref<256x16xf32, #tpu.memory_space<vmem>>[vector<16xi32>, vector<16xi32>], vector<16xf32>,
      %gt3A_209 = arith.cmpf ogt, %gather3A_208, %select_n3A_202 : vector<16xf32>
      %gt3A_210 = arith.cmpf ogt, %gather3A_208, %select_n3A_199 : vector<16xf32>
      %select_n3A_211 = arith.select %gt3A_210, %gather3A_208, %select_n3A_199 : vector<16xi1>, vector<16xf32>
      %select_n3A_212 = arith.select %gt3A_209, %select_n3A_202, %select_n3A_211 : vector<16xi1>, vector<16xf32>
      %select_n3A_213 = arith.select %gt3A_210, %and3A_207, %select_n3A_201 : vector<16xi1>, vector<16xi32>
      %select_n3A_214 = arith.select %gt3A_209, %select_n3A_203, %select_n3A_213 : vector<16xi1>, vector<16xi32>
      %select_n3A_215 = arith.select %gt3A_209, %gather3A_208, %select_n3A_202 : vector<16xi1>, vector<16xf32>
      %select_n3A_216 = arith.select %gt3A_209, %and3A_207, %select_n3A_203 : vector<16xi1>, vector<16xi32>
      %broadcast_in_dim3A_217 = arith.constant 11 : i32
      %broadcast_in_dim3A_218 = vector.broadcast %broadcast_in_dim3A_217 : i32 to vector<16xi32>
      %add3A_219 = arith.addi %broadcast_in_dim3A_218, %iota3A : vector<16xi32>
      %and3A_220 = arith.andi %add3A_219, %broadcast_in_dim3A_87 : vector<16xi32>
      %gather3A_221 = tpu.vector_load_idx %arg5[%add3A_85, %and3A_220] : memref<256x16xf32, #tpu.memory_space<vmem>>[vector<16xi32>, vector<16xi32>], vector<16xf32>,
      %gt3A_222 = arith.cmpf ogt, %gather3A_221, %select_n3A_215 : vector<16xf32>
      %gt3A_223 = arith.cmpf ogt, %gather3A_221, %select_n3A_212 : vector<16xf32>
      %select_n3A_224 = arith.select %gt3A_223, %gather3A_221, %select_n3A_212 : vector<16xi1>, vector<16xf32>
      %select_n3A_225 = arith.select %gt3A_222, %select_n3A_215, %select_n3A_224 : vector<16xi1>, vector<16xf32>
      %select_n3A_226 = arith.select %gt3A_223, %and3A_220, %select_n3A_214 : vector<16xi1>, vector<16xi32>
      %select_n3A_227 = arith.select %gt3A_222, %select_n3A_216, %select_n3A_226 : vector<16xi1>, vector<16xi32>
      %select_n3A_228 = arith.select %gt3A_222, %gather3A_221, %select_n3A_215 : vector<16xi1>, vector<16xf32>
      %select_n3A_229 = arith.select %gt3A_222, %and3A_220, %select_n3A_216 : vector<16xi1>, vector<16xi32>
      %broadcast_in_dim3A_230 = arith.constant 12 : i32
      %broadcast_in_dim3A_231 = vector.broadcast %broadcast_in_dim3A_230 : i32 to vector<16xi32>
      %add3A_232 = arith.addi %broadcast_in_dim3A_231, %iota3A : vector<16xi32>
      %and3A_233 = arith.andi %add3A_232, %broadcast_in_dim3A_87 : vector<16xi32>
      %gather3A_234 = tpu.vector_load_idx %arg5[%add3A_85, %and3A_233] : memref<256x16xf32, #tpu.memory_space<vmem>>[vector<16xi32>, vector<16xi32>], vector<16xf32>,
      %gt3A_235 = arith.cmpf ogt, %gather3A_234, %select_n3A_228 : vector<16xf32>
      %gt3A_236 = arith.cmpf ogt, %gather3A_234, %select_n3A_225 : vector<16xf32>
      %select_n3A_237 = arith.select %gt3A_236, %gather3A_234, %select_n3A_225 : vector<16xi1>, vector<16xf32>
      %select_n3A_238 = arith.select %gt3A_235, %select_n3A_228, %select_n3A_237 : vector<16xi1>, vector<16xf32>
      %select_n3A_239 = arith.select %gt3A_236, %and3A_233, %select_n3A_227 : vector<16xi1>, vector<16xi32>
      %select_n3A_240 = arith.select %gt3A_235, %select_n3A_229, %select_n3A_239 : vector<16xi1>, vector<16xi32>
      %select_n3A_241 = arith.select %gt3A_235, %gather3A_234, %select_n3A_228 : vector<16xi1>, vector<16xf32>
      %select_n3A_242 = arith.select %gt3A_235, %and3A_233, %select_n3A_229 : vector<16xi1>, vector<16xi32>
      %broadcast_in_dim3A_243 = arith.constant 13 : i32
      %broadcast_in_dim3A_244 = vector.broadcast %broadcast_in_dim3A_243 : i32 to vector<16xi32>
      %add3A_245 = arith.addi %broadcast_in_dim3A_244, %iota3A : vector<16xi32>
      %and3A_246 = arith.andi %add3A_245, %broadcast_in_dim3A_87 : vector<16xi32>
      %gather3A_247 = tpu.vector_load_idx %arg5[%add3A_85, %and3A_246] : memref<256x16xf32, #tpu.memory_space<vmem>>[vector<16xi32>, vector<16xi32>], vector<16xf32>,
      %gt3A_248 = arith.cmpf ogt, %gather3A_247, %select_n3A_241 : vector<16xf32>
      %gt3A_249 = arith.cmpf ogt, %gather3A_247, %select_n3A_238 : vector<16xf32>
      %select_n3A_250 = arith.select %gt3A_249, %gather3A_247, %select_n3A_238 : vector<16xi1>, vector<16xf32>
      %select_n3A_251 = arith.select %gt3A_248, %select_n3A_241, %select_n3A_250 : vector<16xi1>, vector<16xf32>
      %select_n3A_252 = arith.select %gt3A_249, %and3A_246, %select_n3A_240 : vector<16xi1>, vector<16xi32>
      %select_n3A_253 = arith.select %gt3A_248, %select_n3A_242, %select_n3A_252 : vector<16xi1>, vector<16xi32>
      %select_n3A_254 = arith.select %gt3A_248, %gather3A_247, %select_n3A_241 : vector<16xi1>, vector<16xf32>
      %select_n3A_255 = arith.select %gt3A_248, %and3A_246, %select_n3A_242 : vector<16xi1>, vector<16xi32>
      %broadcast_in_dim3A_256 = arith.constant 14 : i32
      %broadcast_in_dim3A_257 = vector.broadcast %broadcast_in_dim3A_256 : i32 to vector<16xi32>
      %add3A_258 = arith.addi %broadcast_in_dim3A_257, %iota3A : vector<16xi32>
      %and3A_259 = arith.andi %add3A_258, %broadcast_in_dim3A_87 : vector<16xi32>
      %gather3A_260 = tpu.vector_load_idx %arg5[%add3A_85, %and3A_259] : memref<256x16xf32, #tpu.memory_space<vmem>>[vector<16xi32>, vector<16xi32>], vector<16xf32>,
      %gt3A_261 = arith.cmpf ogt, %gather3A_260, %select_n3A_254 : vector<16xf32>
      %gt3A_262 = arith.cmpf ogt, %gather3A_260, %select_n3A_251 : vector<16xf32>
      %select_n3A_263 = arith.select %gt3A_262, %gather3A_260, %select_n3A_251 : vector<16xi1>, vector<16xf32>
      %select_n3A_264 = arith.select %gt3A_261, %select_n3A_254, %select_n3A_263 : vector<16xi1>, vector<16xf32>
      %select_n3A_265 = arith.select %gt3A_262, %and3A_259, %select_n3A_253 : vector<16xi1>, vector<16xi32>
      %select_n3A_266 = arith.select %gt3A_261, %select_n3A_255, %select_n3A_265 : vector<16xi1>, vector<16xi32>
      %select_n3A_267 = arith.select %gt3A_261, %gather3A_260, %select_n3A_254 : vector<16xi1>, vector<16xf32>
      %select_n3A_268 = arith.select %gt3A_261, %and3A_259, %select_n3A_255 : vector<16xi1>, vector<16xi32>
      %broadcast_in_dim3A_269 = arith.constant 15 : i32
      %broadcast_in_dim3A_270 = vector.broadcast %broadcast_in_dim3A_269 : i32 to vector<16xi32>
      %add3A_271 = arith.addi %broadcast_in_dim3A_270, %iota3A : vector<16xi32>
      %and3A_272 = arith.andi %add3A_271, %broadcast_in_dim3A_87 : vector<16xi32>
      %gather3A_273 = tpu.vector_load_idx %arg5[%add3A_85, %and3A_272] : memref<256x16xf32, #tpu.memory_space<vmem>>[vector<16xi32>, vector<16xi32>], vector<16xf32>,
      %gt3A_274 = arith.cmpf ogt, %gather3A_273, %select_n3A_267 : vector<16xf32>
      %gt3A_275 = arith.cmpf ogt, %gather3A_273, %select_n3A_264 : vector<16xf32>
      %select_n3A_276 = arith.select %gt3A_275, %gather3A_273, %select_n3A_264 : vector<16xi1>, vector<16xf32>
      %select_n3A_277 = arith.select %gt3A_274, %select_n3A_267, %select_n3A_276 : vector<16xi1>, vector<16xf32>
      %select_n3A_278 = arith.select %gt3A_275, %and3A_272, %select_n3A_266 : vector<16xi1>, vector<16xi32>
      %select_n3A_279 = arith.select %gt3A_274, %select_n3A_268, %select_n3A_278 : vector<16xi1>, vector<16xi32>
      %select_n3A_280 = arith.select %gt3A_274, %gather3A_273, %select_n3A_267 : vector<16xi1>, vector<16xf32>
      %select_n3A_281 = arith.select %gt3A_274, %and3A_272, %select_n3A_268 : vector<16xi1>, vector<16xi32>
      %sub3A = arith.subf %select_n3A_277, %select_n3A_280 : vector<16xf32>
      %exp3A = math.exp %sub3A : vector<16xf32>
      %add3A_282 = arith.addf %broadcast_in_dim3A_26, %exp3A : vector<16xf32>
      %div3A = arith.divf %broadcast_in_dim3A_26, %add3A_282 : vector<16xf32>
      %mul3A_283 = arith.mulf %exp3A, %div3A : vector<16xf32>
      %mul3A_284 = arith.constant 16 : i32
      %mul3A_285 = arith.muli %scan3A_81, %mul3A_284 : i32
      %add3A_286 = arith.constant 0 : i32
      %add3A_287 = arith.addi %mul3A_285, %add3A_286 : i32
      %swap3A = arith.index_cast %add3A_287 : i32 to index
      %swap3A_288 = arith.constant 0 : index
      %swap3A_289 = tpu.vector_load %arg6[%swap3A, %swap3A_288] {strides = array<i32>} : memref<256x16xf32, #tpu.memory_space<vmem>>, vector<16xf32>,
      tpu.vector_store %arg6[%swap3A, %swap3A_288], %broadcast_in_dim3A_28 {strides = array<i32>} : memref<256x16xf32, #tpu.memory_space<vmem>>, vector<16xf32>,
      %mul3A_290 = arith.constant 16 : i32
      %mul3A_291 = arith.muli %scan3A_81, %mul3A_290 : i32
      %add3A_292 = arith.constant 1 : i32
      %add3A_293 = arith.addi %mul3A_291, %add3A_292 : i32
      %swap3A_294 = arith.index_cast %add3A_293 : i32 to index
      %swap3A_295 = arith.constant 0 : index
      %swap3A_296 = tpu.vector_load %arg6[%swap3A_294, %swap3A_295] {strides = array<i32>} : memref<256x16xf32, #tpu.memory_space<vmem>>, vector<16xf32>,
      tpu.vector_store %arg6[%swap3A_294, %swap3A_295], %broadcast_in_dim3A_28 {strides = array<i32>} : memref<256x16xf32, #tpu.memory_space<vmem>>, vector<16xf32>,
      %mul3A_297 = arith.constant 16 : i32
      %mul3A_298 = arith.muli %scan3A_81, %mul3A_297 : i32
      %add3A_299 = arith.constant 2 : i32
      %add3A_300 = arith.addi %mul3A_298, %add3A_299 : i32
      %swap3A_301 = arith.index_cast %add3A_300 : i32 to index
      %swap3A_302 = arith.constant 0 : index
      %swap3A_303 = tpu.vector_load %arg6[%swap3A_301, %swap3A_302] {strides = array<i32>} : memref<256x16xf32, #tpu.memory_space<vmem>>, vector<16xf32>,
      tpu.vector_store %arg6[%swap3A_301, %swap3A_302], %broadcast_in_dim3A_28 {strides = array<i32>} : memref<256x16xf32, #tpu.memory_space<vmem>>, vector<16xf32>,
      %mul3A_304 = arith.constant 16 : i32
      %mul3A_305 = arith.muli %scan3A_81, %mul3A_304 : i32
      %add3A_306 = arith.constant 3 : i32
      %add3A_307 = arith.addi %mul3A_305, %add3A_306 : i32
      %swap3A_308 = arith.index_cast %add3A_307 : i32 to index
      %swap3A_309 = arith.constant 0 : index
      %swap3A_310 = tpu.vector_load %arg6[%swap3A_308, %swap3A_309] {strides = array<i32>} : memref<256x16xf32, #tpu.memory_space<vmem>>, vector<16xf32>,
      tpu.vector_store %arg6[%swap3A_308, %swap3A_309], %broadcast_in_dim3A_28 {strides = array<i32>} : memref<256x16xf32, #tpu.memory_space<vmem>>, vector<16xf32>,
      %mul3A_311 = arith.constant 16 : i32
      %mul3A_312 = arith.muli %scan3A_81, %mul3A_311 : i32
      %add3A_313 = arith.constant 4 : i32
      %add3A_314 = arith.addi %mul3A_312, %add3A_313 : i32
      %swap3A_315 = arith.index_cast %add3A_314 : i32 to index
      %swap3A_316 = arith.constant 0 : index
      %swap3A_317 = tpu.vector_load %arg6[%swap3A_315, %swap3A_316] {strides = array<i32>} : memref<256x16xf32, #tpu.memory_space<vmem>>, vector<16xf32>,
      tpu.vector_store %arg6[%swap3A_315, %swap3A_316], %broadcast_in_dim3A_28 {strides = array<i32>} : memref<256x16xf32, #tpu.memory_space<vmem>>, vector<16xf32>,
      %mul3A_318 = arith.constant 16 : i32
      %mul3A_319 = arith.muli %scan3A_81, %mul3A_318 : i32
      %add3A_320 = arith.constant 5 : i32
      %add3A_321 = arith.addi %mul3A_319, %add3A_320 : i32
      %swap3A_322 = arith.index_cast %add3A_321 : i32 to index
      %swap3A_323 = arith.constant 0 : index
      %swap3A_324 = tpu.vector_load %arg6[%swap3A_322, %swap3A_323] {strides = array<i32>} : memref<256x16xf32, #tpu.memory_space<vmem>>, vector<16xf32>,
      tpu.vector_store %arg6[%swap3A_322, %swap3A_323], %broadcast_in_dim3A_28 {strides = array<i32>} : memref<256x16xf32, #tpu.memory_space<vmem>>, vector<16xf32>,
      %mul3A_325 = arith.constant 16 : i32
      %mul3A_326 = arith.muli %scan3A_81, %mul3A_325 : i32
      %add3A_327 = arith.constant 6 : i32
      %add3A_328 = arith.addi %mul3A_326, %add3A_327 : i32
      %swap3A_329 = arith.index_cast %add3A_328 : i32 to index
      %swap3A_330 = arith.constant 0 : index
      %swap3A_331 = tpu.vector_load %arg6[%swap3A_329, %swap3A_330] {strides = array<i32>} : memref<256x16xf32, #tpu.memory_space<vmem>>, vector<16xf32>,
      tpu.vector_store %arg6[%swap3A_329, %swap3A_330], %broadcast_in_dim3A_28 {strides = array<i32>} : memref<256x16xf32, #tpu.memory_space<vmem>>, vector<16xf32>,
      %mul3A_332 = arith.constant 16 : i32
      %mul3A_333 = arith.muli %scan3A_81, %mul3A_332 : i32
      %add3A_334 = arith.constant 7 : i32
      %add3A_335 = arith.addi %mul3A_333, %add3A_334 : i32
      %swap3A_336 = arith.index_cast %add3A_335 : i32 to index
      %swap3A_337 = arith.constant 0 : index
      %swap3A_338 = tpu.vector_load %arg6[%swap3A_336, %swap3A_337] {strides = array<i32>} : memref<256x16xf32, #tpu.memory_space<vmem>>, vector<16xf32>,
      tpu.vector_store %arg6[%swap3A_336, %swap3A_337], %broadcast_in_dim3A_28 {strides = array<i32>} : memref<256x16xf32, #tpu.memory_space<vmem>>, vector<16xf32>,
      %mul3A_339 = arith.constant 16 : i32
      %mul3A_340 = arith.muli %scan3A_81, %mul3A_339 : i32
      %add3A_341 = arith.constant 8 : i32
      %add3A_342 = arith.addi %mul3A_340, %add3A_341 : i32
      %swap3A_343 = arith.index_cast %add3A_342 : i32 to index
      %swap3A_344 = arith.constant 0 : index
      %swap3A_345 = tpu.vector_load %arg6[%swap3A_343, %swap3A_344] {strides = array<i32>} : memref<256x16xf32, #tpu.memory_space<vmem>>, vector<16xf32>,
      tpu.vector_store %arg6[%swap3A_343, %swap3A_344], %broadcast_in_dim3A_28 {strides = array<i32>} : memref<256x16xf32, #tpu.memory_space<vmem>>, vector<16xf32>,
      %mul3A_346 = arith.constant 16 : i32
      %mul3A_347 = arith.muli %scan3A_81, %mul3A_346 : i32
      %add3A_348 = arith.constant 9 : i32
      %add3A_349 = arith.addi %mul3A_347, %add3A_348 : i32
      %swap3A_350 = arith.index_cast %add3A_349 : i32 to index
      %swap3A_351 = arith.constant 0 : index
      %swap3A_352 = tpu.vector_load %arg6[%swap3A_350, %swap3A_351] {strides = array<i32>} : memref<256x16xf32, #tpu.memory_space<vmem>>, vector<16xf32>,
      tpu.vector_store %arg6[%swap3A_350, %swap3A_351], %broadcast_in_dim3A_28 {strides = array<i32>} : memref<256x16xf32, #tpu.memory_space<vmem>>, vector<16xf32>,
      %mul3A_353 = arith.constant 16 : i32
      %mul3A_354 = arith.muli %scan3A_81, %mul3A_353 : i32
      %add3A_355 = arith.constant 10 : i32
      %add3A_356 = arith.addi %mul3A_354, %add3A_355 : i32
      %swap3A_357 = arith.index_cast %add3A_356 : i32 to index
      %swap3A_358 = arith.constant 0 : index
      %swap3A_359 = tpu.vector_load %arg6[%swap3A_357, %swap3A_358] {strides = array<i32>} : memref<256x16xf32, #tpu.memory_space<vmem>>, vector<16xf32>,
      tpu.vector_store %arg6[%swap3A_357, %swap3A_358], %broadcast_in_dim3A_28 {strides = array<i32>} : memref<256x16xf32, #tpu.memory_space<vmem>>, vector<16xf32>,
      %mul3A_360 = arith.constant 16 : i32
      %mul3A_361 = arith.muli %scan3A_81, %mul3A_360 : i32
      %add3A_362 = arith.constant 11 : i32
      %add3A_363 = arith.addi %mul3A_361, %add3A_362 : i32
      %swap3A_364 = arith.index_cast %add3A_363 : i32 to index
      %swap3A_365 = arith.constant 0 : index
      %swap3A_366 = tpu.vector_load %arg6[%swap3A_364, %swap3A_365] {strides = array<i32>} : memref<256x16xf32, #tpu.memory_space<vmem>>, vector<16xf32>,
      tpu.vector_store %arg6[%swap3A_364, %swap3A_365], %broadcast_in_dim3A_28 {strides = array<i32>} : memref<256x16xf32, #tpu.memory_space<vmem>>, vector<16xf32>,
      %mul3A_367 = arith.constant 16 : i32
      %mul3A_368 = arith.muli %scan3A_81, %mul3A_367 : i32
      %add3A_369 = arith.constant 12 : i32
      %add3A_370 = arith.addi %mul3A_368, %add3A_369 : i32
      %swap3A_371 = arith.index_cast %add3A_370 : i32 to index
      %swap3A_372 = arith.constant 0 : index
      %swap3A_373 = tpu.vector_load %arg6[%swap3A_371, %swap3A_372] {strides = array<i32>} : memref<256x16xf32, #tpu.memory_space<vmem>>, vector<16xf32>,
      tpu.vector_store %arg6[%swap3A_371, %swap3A_372], %broadcast_in_dim3A_28 {strides = array<i32>} : memref<256x16xf32, #tpu.memory_space<vmem>>, vector<16xf32>,
      %mul3A_374 = arith.constant 16 : i32
      %mul3A_375 = arith.muli %scan3A_81, %mul3A_374 : i32
      %add3A_376 = arith.constant 13 : i32
      %add3A_377 = arith.addi %mul3A_375, %add3A_376 : i32
      %swap3A_378 = arith.index_cast %add3A_377 : i32 to index
      %swap3A_379 = arith.constant 0 : index
      %swap3A_380 = tpu.vector_load %arg6[%swap3A_378, %swap3A_379] {strides = array<i32>} : memref<256x16xf32, #tpu.memory_space<vmem>>, vector<16xf32>,
      tpu.vector_store %arg6[%swap3A_378, %swap3A_379], %broadcast_in_dim3A_28 {strides = array<i32>} : memref<256x16xf32, #tpu.memory_space<vmem>>, vector<16xf32>,
      %mul3A_381 = arith.constant 16 : i32
      %mul3A_382 = arith.muli %scan3A_81, %mul3A_381 : i32
      %add3A_383 = arith.constant 14 : i32
      %add3A_384 = arith.addi %mul3A_382, %add3A_383 : i32
      %swap3A_385 = arith.index_cast %add3A_384 : i32 to index
      %swap3A_386 = arith.constant 0 : index
      %swap3A_387 = tpu.vector_load %arg6[%swap3A_385, %swap3A_386] {strides = array<i32>} : memref<256x16xf32, #tpu.memory_space<vmem>>, vector<16xf32>,
      tpu.vector_store %arg6[%swap3A_385, %swap3A_386], %broadcast_in_dim3A_28 {strides = array<i32>} : memref<256x16xf32, #tpu.memory_space<vmem>>, vector<16xf32>,
      %mul3A_388 = arith.constant 16 : i32
      %mul3A_389 = arith.muli %scan3A_81, %mul3A_388 : i32
      %add3A_390 = arith.constant 15 : i32
      %add3A_391 = arith.addi %mul3A_389, %add3A_390 : i32
      %swap3A_392 = arith.index_cast %add3A_391 : i32 to index
      %swap3A_393 = arith.constant 0 : index
      %swap3A_394 = tpu.vector_load %arg6[%swap3A_392, %swap3A_393] {strides = array<i32>} : memref<256x16xf32, #tpu.memory_space<vmem>>, vector<16xf32>,
      tpu.vector_store %arg6[%swap3A_392, %swap3A_393], %broadcast_in_dim3A_28 {strides = array<i32>} : memref<256x16xf32, #tpu.memory_space<vmem>>, vector<16xf32>,
      tpu.vector_store_idx %arg6[%add3A_85, %select_n3A_281], %div3A : memref<256x16xf32, #tpu.memory_space<vmem>>[vector<16xi32>, vector<16xi32>], vector<16xf32>,
      tpu.vector_store_idx %arg6[%add3A_85, %select_n3A_279], %mul3A_283 : memref<256x16xf32, #tpu.memory_space<vmem>>[vector<16xi32>, vector<16xi32>], vector<16xf32>,
      tpu.vector_store_idx %arg7[%add3A_85, %broadcast_in_dim3A_24], %select_n3A_281 : memref<256x2xi32, #tpu.memory_space<vmem>>[vector<16xi32>, vector<16xi32>], vector<16xi32>,
      %add3A_395 = arith.constant 1 : i32
      %add3A_396 = vector.broadcast %add3A_395 : i32 to vector<16xi32>
      %add3A_397 = arith.addi %broadcast_in_dim3A_24, %add3A_396 : vector<16xi32>
      tpu.vector_store_idx %arg7[%add3A_85, %add3A_397], %select_n3A_279 : memref<256x2xi32, #tpu.memory_space<vmem>>[vector<16xi32>, vector<16xi32>], vector<16xi32>,
    }
    %scan3A_68 = arith.constant 8 : i32
    %dma_wait3A_69 = arith.constant 0 : i32
    %dma_wait3A_70 = arith.constant 0 : i32
    %dma_wait3A_71 = tpu.memref_slice %arg6[%dma_wait3A_69, %dma_wait3A_70] : memref<256x16xf32, #tpu.memory_space<vmem>> -> memref<128x16xf32, #tpu.memory_space<vmem>>
    %dma_wait3A_72 = arith.constant 0 : i32
    %dma_wait3A_73 = tpu.memref_slice %arg3[%mul3A_2, %dma_wait3A_72] : memref<8192x16xf32, #tpu.memory_space<hbm>> -> memref<128x16xf32, #tpu.memory_space<hbm>>
    %dma_wait3A_74 = arith.constant 0 : i32
    %dma_wait3A_75 = tpu.memref_slice %arg3[%mul3A_2, %dma_wait3A_74] : memref<8192x16xf32, #tpu.memory_space<hbm>> -> memref<128x16xf32, #tpu.memory_space<hbm>>
    %dma_wait3A_76 = arith.constant 0 : i32
    %dma_wait3A_77 = arith.constant 0 : i32
    %dma_wait3A_78 = tpu.memref_slice %arg6[%dma_wait3A_76, %dma_wait3A_77] : memref<256x16xf32, #tpu.memory_space<vmem>> -> memref<128x16xf32, #tpu.memory_space<vmem>>
    tpu.wait_dma2 semaphore(%arg9 : memref<!tpu.dma_semaphore, #tpu.memory_space<semaphore_mem>>) src(%dma_wait3A_78 : memref<128x16xf32, #tpu.memory_space<vmem>>) dst(%dma_wait3A_75 : memref<128x16xf32, #tpu.memory_space<hbm>>)
    %add3A_79 = arith.constant 128 : i32
    %add3A_80 = arith.addi %mul3A_2, %add3A_79 : i32
    "tpu.region"() ({
      %run_scoped3A = tpu.sem_alloc : memref<!tpu.dma_semaphore, #tpu.memory_space<semaphore_mem>>
      %dma_start3A_81 = arith.constant 128 : i32
      %dma_start3A_82 = arith.constant 0 : i32
      %dma_start3A_83 = tpu.memref_slice %arg6[%dma_start3A_81, %dma_start3A_82] : memref<256x16xf32, #tpu.memory_space<vmem>> -> memref<128x16xf32, #tpu.memory_space<vmem>>
      %dma_start3A_84 = arith.constant 0 : i32
      %dma_start3A_85 = tpu.memref_slice %arg3[%add3A_80, %dma_start3A_84] : memref<8192x16xf32, #tpu.memory_space<hbm>> -> memref<128x16xf32, #tpu.memory_space<hbm>>
      %dma_start3A_86 = arith.constant 0 : i32
      %dma_start3A_87 = tpu.memref_slice %arg3[%add3A_80, %dma_start3A_86] : memref<8192x16xf32, #tpu.memory_space<hbm>> -> memref<128x16xf32, #tpu.memory_space<hbm>>
      %dma_start3A_88 = arith.constant 128 : i32
      %dma_start3A_89 = arith.constant 0 : i32
      %dma_start3A_90 = tpu.memref_slice %arg6[%dma_start3A_88, %dma_start3A_89] : memref<256x16xf32, #tpu.memory_space<vmem>> -> memref<128x16xf32, #tpu.memory_space<vmem>>
      tpu.enqueue_dma source(%dma_start3A_90 : memref<128x16xf32, #tpu.memory_space<vmem>>) target(%dma_start3A_87 : memref<128x16xf32, #tpu.memory_space<hbm>>) target_semaphore(%run_scoped3A : memref<!tpu.dma_semaphore, #tpu.memory_space<semaphore_mem>>)
      %dma_wait3A_91 = arith.constant 128 : i32
      %dma_wait3A_92 = arith.constant 0 : i32
      %dma_wait3A_93 = tpu.memref_slice %arg6[%dma_wait3A_91, %dma_wait3A_92] : memref<256x16xf32, #tpu.memory_space<vmem>> -> memref<128x16xf32, #tpu.memory_space<vmem>>
      %dma_wait3A_94 = arith.constant 0 : i32
      %dma_wait3A_95 = tpu.memref_slice %arg3[%add3A_80, %dma_wait3A_94] : memref<8192x16xf32, #tpu.memory_space<hbm>> -> memref<128x16xf32, #tpu.memory_space<hbm>>
      %dma_wait3A_96 = arith.constant 0 : i32
      %dma_wait3A_97 = tpu.memref_slice %arg3[%add3A_80, %dma_wait3A_96] : memref<8192x16xf32, #tpu.memory_space<hbm>> -> memref<128x16xf32, #tpu.memory_space<hbm>>
      %dma_wait3A_98 = arith.constant 128 : i32
      %dma_wait3A_99 = arith.constant 0 : i32
      %dma_wait3A_100 = tpu.memref_slice %arg6[%dma_wait3A_98, %dma_wait3A_99] : memref<256x16xf32, #tpu.memory_space<vmem>> -> memref<128x16xf32, #tpu.memory_space<vmem>>
      tpu.wait_dma2 semaphore(%run_scoped3A : memref<!tpu.dma_semaphore, #tpu.memory_space<semaphore_mem>>) src(%dma_wait3A_100 : memref<128x16xf32, #tpu.memory_space<vmem>>) dst(%dma_wait3A_97 : memref<128x16xf32, #tpu.memory_space<hbm>>)
      tpu.yield
    }) : () -> ()
    "tpu.region"() ({
      %run_scoped3A = tpu.sem_alloc : memref<!tpu.dma_semaphore, #tpu.memory_space<semaphore_mem>>
      %dma_start3A_81 = arith.constant 0 : i32
      %dma_start3A_82 = tpu.memref_slice %arg4[%mul3A_2, %dma_start3A_81] : memref<8192x2xi32, #tpu.memory_space<hbm>> -> memref<256x2xi32, #tpu.memory_space<hbm>>
      %dma_start3A_83 = arith.constant 0 : i32
      %dma_start3A_84 = tpu.memref_slice %arg4[%mul3A_2, %dma_start3A_83] : memref<8192x2xi32, #tpu.memory_space<hbm>> -> memref<256x2xi32, #tpu.memory_space<hbm>>
      tpu.enqueue_dma source(%arg7 : memref<256x2xi32, #tpu.memory_space<vmem>>) target(%dma_start3A_84 : memref<256x2xi32, #tpu.memory_space<hbm>>) target_semaphore(%run_scoped3A : memref<!tpu.dma_semaphore, #tpu.memory_space<semaphore_mem>>)
      %dma_wait3A_85 = arith.constant 0 : i32
      %dma_wait3A_86 = tpu.memref_slice %arg4[%mul3A_2, %dma_wait3A_85] : memref<8192x2xi32, #tpu.memory_space<hbm>> -> memref<256x2xi32, #tpu.memory_space<hbm>>
      %dma_wait3A_87 = arith.constant 0 : i32
      %dma_wait3A_88 = tpu.memref_slice %arg4[%mul3A_2, %dma_wait3A_87] : memref<8192x2xi32, #tpu.memory_space<hbm>> -> memref<256x2xi32, #tpu.memory_space<hbm>>
      tpu.wait_dma2 semaphore(%run_scoped3A : memref<!tpu.dma_semaphore, #tpu.memory_space<semaphore_mem>>) src(%arg7 : memref<256x2xi32, #tpu.memory_space<vmem>>) dst(%dma_wait3A_88 : memref<256x2xi32, #tpu.memory_space<hbm>>)
      tpu.yield
    }) : () -> ()
    return
  }
}

module attributes {stable_mosaic.version = 14 : i64} {
  func.func @_noisy_body(%arg0: i32, %arg1: memref<1024x2048xf32, #tpu.memory_space<vmem>>, %arg2: memref<2048x32xf32, #tpu.memory_space<vmem>>, %arg3: memref<1x32xf32, #tpu.memory_space<vmem>>, %arg4: memref<1024x16xf32, #tpu.memory_space<vmem>>, %arg5: memref<1024x16xf32, #tpu.memory_space<vmem>>) attributes {dimension_semantics = [#tpu.dimension_semantics<arbitrary>], iteration_bounds = array<i64: 8>, scalar_prefetch = 0 : i64, scratch_operands = 0 : i64, tpu.core_type = #tpu.core_type<tc>, window_params = [{transform_indices = @transform_0, window_bounds = array<i64: 1024, 2048>}, {pipeline_mode = #tpu.pipeline_mode<synchronous>, transform_indices = @transform_1, window_bounds = array<i64: 2048, 32>}, {pipeline_mode = #tpu.pipeline_mode<synchronous>, transform_indices = @transform_2, window_bounds = array<i64: 1, 32>}, {transform_indices = @transform_3, window_bounds = array<i64: 1024, 16>}, {transform_indices = @transform_4, window_bounds = array<i64: 1024, 16>}]} {
    %get3A = arith.constant 0 : index
    %get3A_0 = arith.constant 0 : index
    %get3A_1 = vector.load %arg1[%get3A, %get3A_0] : memref<1024x2048xf32, #tpu.memory_space<vmem>>, vector<1024x2048xf32>
    %get3A_2 = arith.constant 0 : index
    %get3A_3 = arith.constant 0 : index
    %get3A_4 = vector.load %arg2[%get3A_2, %get3A_3] : memref<2048x32xf32, #tpu.memory_space<vmem>>, vector<2048x32xf32>
    %dot_general3A = arith.constant dense<0.000000e+00> : vector<1024x32xf32>
    %dot_general3A_5 = tpu.matmul %get3A_1, %get3A_4, %dot_general3A {dimension_numbers = #tpu.dot_dimension_numbers<[1], [0], [0], [1], [0, 0, 1, 1], [], []>, transpose_lhs_hint = false} : vector<1024x2048xf32>, vector<2048x32xf32>, vector<1024x32xf32> -> vector<1024x32xf32>
    %get3A_6 = arith.constant 0 : index
    %get3A_7 = arith.constant 0 : index
    %get3A_8 = vector.load %arg3[%get3A_6, %get3A_7] : memref<1x32xf32, #tpu.memory_space<vmem>>, vector<1x32xf32>
    %add3A = vector.broadcast %get3A_8 : vector<1x32xf32> to vector<1024x32xf32>
    %add3A_9 = arith.addf %dot_general3A_5, %add3A : vector<1024x32xf32>
    %slice3A = vector.extract_strided_slice %add3A_9 {offsets = [0, 0], sizes = [1024, 16], strides = [1, 1]} : vector<1024x32xf32> to vector<1024x16xf32>
    %slice3A_10 = vector.extract_strided_slice %add3A_9 {offsets = [0, 16], sizes = [1024, 16], strides = [1, 1]} : vector<1024x32xf32> to vector<1024x16xf32>
    %get3A_11 = arith.constant 0 : index
    %get3A_12 = arith.constant 0 : index
    %get3A_13 = vector.load %arg4[%get3A_11, %get3A_12] : memref<1024x16xf32, #tpu.memory_space<vmem>>, vector<1024x16xf32>
    %custom_jvp_call3A = arith.constant 0.000000e+00 : f32
    %max3A = vector.broadcast %custom_jvp_call3A : f32 to vector<1024x16xf32>
    %max3A_14 = arith.maximumf %slice3A_10, %max3A : vector<1024x16xf32>
    %sub3A = vector.broadcast %custom_jvp_call3A : f32 to vector<1024x16xf32>
    %sub3A_15 = arith.subf %slice3A_10, %sub3A : vector<1024x16xf32>
    %ne3A = arith.cmpf one, %sub3A_15, %sub3A_15 : vector<1024x16xf32>
    %add3A_16 = vector.broadcast %custom_jvp_call3A : f32 to vector<1024x16xf32>
    %add3A_17 = arith.addf %slice3A_10, %add3A_16 : vector<1024x16xf32>
    %abs3A = math.absf %sub3A_15 : vector<1024x16xf32>
    %neg3A = arith.constant 0.000000e+00 : f32
    %neg3A_18 = vector.broadcast %neg3A : f32 to vector<1024x16xf32>
    %neg3A_19 = arith.subf %neg3A_18, %abs3A : vector<1024x16xf32>
    %exp3A = math.exp %neg3A_19 : vector<1024x16xf32>
    %log1p3A = math.log1p %exp3A : vector<1024x16xf32>
    %add3A_20 = arith.addf %max3A_14, %log1p3A : vector<1024x16xf32>
    %select_n3A = arith.select %ne3A, %add3A_17, %add3A_20 : vector<1024x16xi1>, vector<1024x16xf32>
    %mul3A = arith.mulf %get3A_13, %select_n3A : vector<1024x16xf32>
    %add3A_21 = arith.addf %slice3A, %mul3A : vector<1024x16xf32>
    %swap3A = arith.constant 0 : index
    %swap3A_22 = arith.constant 0 : index
    %swap3A_23 = vector.load %arg5[%swap3A, %swap3A_22] : memref<1024x16xf32, #tpu.memory_space<vmem>>, vector<1024x16xf32>
    tpu.vector_store %arg5[%swap3A, %swap3A_22], %add3A_21 {strides = array<i32>} : memref<1024x16xf32, #tpu.memory_space<vmem>>, vector<1024x16xf32>,
    return
  }
  func.func @transform_0(%arg0: i32) -> (i32, i32) {
    %c0_i32 = arith.constant 0 : i32
    %c0_i32_0 = arith.constant 0 : i32
    return %arg0, %c0_i32 : i32, i32
  }
  func.func @transform_1(%arg0: i32) -> (i32, i32) {
    %c0_i32 = arith.constant 0 : i32
    %c0_i32_0 = arith.constant 0 : i32
    %c0_i32_1 = arith.constant 0 : i32
    return %c0_i32, %c0_i32_0 : i32, i32
  }
  func.func @transform_2(%arg0: i32) -> (i32, i32) {
    %c0_i32 = arith.constant 0 : i32
    %c0_i32_0 = arith.constant 0 : i32
    %c0_i32_1 = arith.constant 0 : i32
    return %c0_i32, %c0_i32_0 : i32, i32
  }
  func.func @transform_3(%arg0: i32) -> (i32, i32) {
    %c0_i32 = arith.constant 0 : i32
    %c0_i32_0 = arith.constant 0 : i32
    return %arg0, %c0_i32 : i32, i32
  }
  func.func @transform_4(%arg0: i32) -> (i32, i32) {
    %c0_i32 = arith.constant 0 : i32
    %c0_i32_0 = arith.constant 0 : i32
    return %arg0, %c0_i32 : i32, i32
  }
}

</mosaic_0001>

<sc_bundles>
// kernel: kernel.4.cloned.1.call-start
scs
__scs_entry_jumppad:
0x0: {  	(pc) =	sbr.rel $0x88, $3  }
0x1: {  	(tag) =	ssettag $0x0;
	lr =	simm.s32 $0x1  }
0x2: {  	[smem:$0x3F9B] =	sst lr;
	_ =	strace $0xD0000000  }
0x3: {  	_ = 	snop  }
0x4: {  	_ = 	snop  }
0x5: {  	_ = 	snop  }
0x6: {  	_ = 	snop  }
0x7: {  	_ = 	snop  }
__scs_overlays_trampoline_lowered:
0x8: {  	[smem:$0x3FAA] =	sst s0  }
0x9: {  	[smem:$0x3FAB] =	sst s1  }
0xa: {  	[smem:$0x3FAC] =	sst s2  }
0xb: {  	[smem:$0x3FAD] =	sst s3  }
0xc: {  	[smem:$0x3FAE] =	sst s4  }
0xd: {  	[smem:$0x3FAF] =	sst s5  }
0xe: {  	[smem:$0x3FB0] =	sst s6  }
0xf: {  	[smem:$0x3FB1] =	sst s7  }
0x10: {  	[smem:$0x3FB2] =	sst s8  }
0x11: {  	[smem:$0x3FB3] =	sst s9;
	s0 =	simm.s32 @!p0 $0x0  }
0x12: {  	s1 =	sld [smem:$0x3F99];
	s0 =	simm.s32 @p0 $0x1  }
0x13: {  	[smem:$0x3FB4] =	sst s0;
	s0 =	simm.s32 @!p1 $0x0  }
0x14: {  	s2 =	sld [smem:$0x3F98];
	s0 =	simm.s32 @p1 $0x1  }
0x15: {  	[smem:$0x3FB5] =	sst s0;
	s0 =	simm.s32 @!p2 $0x0  }
0x16: {  	s3 =	sld [smem:$0x3FDB];
	s0 =	simm.s32 @p2 $0x1  }
0x17: {  	s4 =	simm.s32 $0x1BF5;
	[smem:$0x3FB7] =	sst s0  }
0x18: {  	s0 =	sld [smem:$0x3F9A];
	_ =	swait.ge [sflag:s4], $0x0  }
0x19: {  	s7 =	sld [smem:$0x3F9B]  }
0x1a: {  	s8 =	sadd.s32 $0xFFFFE003, lr  }
0x1b: {  	s9 =	sadd.s32 $0xFFFFFEF7, lr;
	s5 =	simm.s32 $0xFFFFFFFF;
	p2 =	slt.u32 s8, $0xFFFFF086  }
0x1c: {  	p1 =	slt.u32 s9, $0xF7A;
	s5 =	simm.s32 @!p2 $0x0  }
0x1d: {  	s5 =	simm.s32 @p1 $0x1;
	p0 =	seq.s32 s7, s2  }
0x1e: {  	s7 =	smul.u32 @!p0 $0xF7A, s2;
	p2 =	seq.s32 @!p0 s5, $0x0  }
0x1f: {  	s9 =	smul.u32 $0xF7A, s1;
	s8 =	simm.s32 @!p0 $0x1BF5;
	p2 =	por !p2, p0  }
0x20: {  	[sflag:s8] =	ssyncset.s32 @!p0 $0xFFFFF086;
	s6 =	sadd.s32 @!p0 s3, s7;
	s7 =	simm.s32 @!p0 $0x108  }
0x21: {  	s3 =	sadd.s32 s3, s9;
	s6 =	sadd.s32 @!p0 $0x88, s6;
	s7 =	simm.s32 @p2 $0x1082  }
0x22: {  	[simem:s7], [sflag:s8] =	dma.local @!p0 [hbm:s6], $0xF7A  }
0x23: {  	s9 =	sor.u32 $0xD0000000, s2;
	s6 =	simm.s32 $0x108;
	_ =	swait.ge @!p0 [sflag:s8], $0x0  }
0x24: {  	s3 =	sadd.s32 $0x88, s3;
	s6 =	simm.s32 @!p1 $0x1082;
	[sflag:s4] =	ssyncset.s32 $0xFFFFF086  }
0x25: {  	[simem:s6], [sflag:s4] =	dma.local [hbm:s3], $0xF7A  }
0x26: {  	[smem:$0x3F9B] =	sst s1;
	(tag) =	ssettag s2;
	_ =	strace s9  }
0x27: {  	s1 =	sld [smem:$0x3FAB]  }
0x28: {  	s2 =	sld [smem:$0x3FAC]  }
0x29: {  	s4 =	sld [smem:$0x3FAE]  }
0x2a: {  	p0 =	seq.s32 s5, $0x0;
	s5 =	sld [smem:$0x3FAF]  }
0x2b: {  	s6 =	sld [smem:$0x3FB0]  }
0x2c: {  	s7 =	sld [smem:$0x3FB1]  }
0x2d: {  	s3 =	simm.s32 $0x108;
	s8 =	sld [smem:$0x3FB2]  }
0x2e: {  	s3 =	simm.s32 @!p0 $0x1082;
	s9 =	sld [smem:$0x3FB3]  }
0x2f: {  	lr =	sadd.s32 s0, s3;
	s0 =	sld [smem:$0x3FAA]  }
0x30: {  	s3 =	sld [smem:$0x3FAD]  }
0x31: {  	[smem:$0x3FB6] =	sst s10  }
0x32: {  	s10 =	sld [smem:$0x3FB4];
	_ =	sdelay $0x3  }
0x33: {  	p0 =	seq.s32 s10, $0x1;
	s10 =	sld [smem:$0x3FB6];
	_ =	sdelay $0x3  }
0x34: {  	[smem:$0x3FB6] =	sst s10  }
0x35: {  	s10 =	sld [smem:$0x3FB5];
	_ =	sdelay $0x3  }
0x36: {  	p1 =	seq.s32 s10, $0x1;
	s10 =	sld [smem:$0x3FB6];
	_ =	sdelay $0x3  }
0x37: {  	[smem:$0x3FB6] =	sst s10  }
0x38: {  	s10 =	sld [smem:$0x3FB7]  }
0x39: {  	_ = 	snop;
	(pc) =	sbr.ind lr, $3  }
0x3a: {  	_ = 	snop  }
0x3b: {  	_ = 	snop  }
0x3c: {  	p2 =	seq.s32 s10, $0x1;
	s10 =	sld [smem:$0x3FB6]  }
0x3d: {  	_ =	shalt  }
0x3e: {  	_ =	shalt  }
0x3f: {  	_ =	shalt  }
0x40: {  	_ =	shalt  }
0x41: {  	_ =	shalt  }
0x42: {  	_ =	shalt  }
0x43: {  	_ =	shalt  }
0x44: {  	_ =	shalt  }
0x45: {  	_ =	shalt  }
0x46: {  	_ =	shalt  }
0x47: {  	_ =	shalt  }
0x48: {  	_ =	shalt  }
0x49: {  	_ =	shalt  }
0x4a: {  	_ =	shalt  }
0x4b: {  	_ =	shalt  }
0x4c: {  	_ =	shalt  }
0x4d: {  	_ =	shalt  }
0x4e: {  	_ =	shalt  }
0x4f: {  	_ =	shalt  }
0x50: {  	_ =	shalt  }
0x51: {  	_ =	shalt  }
0x52: {  	_ =	shalt  }
0x53: {  	_ =	shalt  }
0x54: {  	_ =	shalt  }
0x55: {  	_ =	shalt  }
0x56: {  	_ =	shalt  }
0x57: {  	_ =	shalt  }
0x58: {  	_ =	shalt  }
0x59: {  	_ =	shalt  }
0x5a: {  	_ =	shalt  }
0x5b: {  	_ =	shalt  }
0x5c: {  	_ =	shalt  }
0x5d: {  	_ =	shalt  }
0x5e: {  	_ =	shalt  }
0x5f: {  	_ =	shalt  }
0x60: {  	_ =	shalt  }
0x61: {  	_ =	shalt  }
0x62: {  	_ =	shalt  }
0x63: {  	_ =	shalt  }
0x64: {  	_ =	shalt  }
0x65: {  	_ =	shalt  }
0x66: {  	_ =	shalt  }
0x67: {  	_ =	shalt  }
0x68: {  	_ =	shalt  }
0x69: {  	_ =	shalt  }
0x6a: {  	_ =	shalt  }
0x6b: {  	_ =	shalt  }
0x6c: {  	_ =	shalt  }
0x6d: {  	_ =	shalt  }
0x6e: {  	_ =	shalt  }
0x6f: {  	_ =	shalt  }
0x70: {  	_ =	shalt  }
0x71: {  	_ =	shalt  }
0x72: {  	_ =	shalt  }
0x73: {  	_ =	shalt  }
0x74: {  	_ =	shalt  }
0x75: {  	_ =	shalt  }
0x76: {  	_ =	shalt  }
0x77: {  	_ =	shalt  }
0x78: {  	_ =	shalt  }
0x79: {  	_ =	shalt  }
0x7a: {  	_ =	shalt  }
0x7b: {  	_ =	shalt  }
0x7c: {  	_ =	shalt  }
0x7d: {  	_ =	shalt  }
0x7e: {  	_ =	shalt  }
0x7f: {  	_ =	shalt  }
0x80: {  	_ =	shalt  }
0x81: {  	_ =	shalt  }
0x82: {  	_ =	shalt  }
0x83: {  	_ =	shalt  }
0x84: {  	_ =	shalt  }
0x85: {  	_ =	shalt  }
0x86: {  	_ =	shalt  }
0x87: {  	_ =	shalt  }
.Lfunc_end0:
.L_simem_size_0:
called_computation_lowered:
.L_overlay_start_0:
0x88: {  	s2 =	sld [smem:$0x3FD9]  }
0x89: {  	s3 =	sld [smem:$0x3FFE];
	_ =	sdelay $0x1  }
0x8a: {  	s1 =	srdreg.scid  }
0x8b: {  	s0 =	sand.u32 $0x1, s1  }
0x8c: {  	s16 =	sshll.u32 s0, $0xA;
	s2 =	sadd.s32 s3, s2  }
0x8d: {  	s2 =	sadd.s32 s2, s16  }
0x8e: {  	[smem:$0x3FC2] =	sst s2  }
0x8f: {  	_ = 	snop  }
0x90: {  	(tm) =	ssettm $0x1  }
0x91: {  	s17 =	sld [smem:$0x3FFB];
	_ =	sdelay $0x3  }
0x92: {  	_ =	strace s17  }
0x93: {  	s2 =	sld [smem:$0x3FFC];
	_ =	sdelay $0x3  }
0x94: {  	_ =	strace s2  }
0x95: {  	s2 =	sld [smem:$0x3FFD];
	_ =	sdelay $0x3  }
0x96: {  	_ =	strace s2  }
0x97: {  	_ =	strace $0x8FFFFFFF  }
0x98: {  	s18 =	sld [smem:$0x3FDB];
	_ =	sdelay $0x1  }
0x99: {  	s19 =	simm.s32 $_scs_section_size  }
0x9a: {  	s4 =	simm.s32 $_size__tile_overlayer_lowered;
	s5 =	simm.s32 $_tile_overlayer_lowered  }
0x9b: {  	s22 =	simm.s32 $0x1BFF;
	s21 =	sshll.u32 s5, $0x1;
	s2 =	sadd.s32 s19, s18  }
0x9c: {  	s6 =	simm.s32 $0x0;
	s20 =	sshll.u32 s4, $0x1;
	s4 =	sadd.s32 s21, s2  }
0x9d: {  	[timem:s6], [sflag:s22] =	dma.local [hbm:s4], s20  }
0x9e: {  	_ =	swait.ge [sflag:s22], s20  }
0x9f: {  	s3 =	ssub.s32 $0x0, s20;
	[sflag:s22] =	ssyncset.done $0x0  }
0xa0: {  	[sflag:s22] =	ssyncadd.s32 s3;
	_ =	sdelay $0x1  }
0xa1: {  	s23 =	simm.s32 $0x1B8B  }
0xa2: {  	_ =	swait.ge [sflag:s23], $0x1  }
0xa3: {  	[sflag:s23] =	ssyncset.done $0x0  }
0xa4: {  	s25 =	simm.s32 $0x1B8E;
	s24 =	sld [smem:$0x3FFE];
	[sflag:s23] =	ssyncadd.s32 $0xFFFFFFFF  }
0xa5: {  	s26 =	simm.s32 $execute0_lowered;
	[smem:$0x3FD2] =	sst s25  }
0xa6: {  	s4 =	sshll.u32 s26, $0x1;
	_ =	strace $0x80000046;
	[dreg:$0x1] =	wrdreg $0xFFFFFFFF  }
0xa7: {  	s28 =	simm.s32 $_size_execute0_lowered;
	s2 =	sadd.s32 s2, s4;
	[dreg:$0x0] =	wrdreg $0x0  }
0xa8: {  	s4 =	sshll.u32 s28, $0x1;
	[dreg:$0x2] =	wrdreg s2  }
0xa9: {  	[dreg:$0x3] =	wrdreg s4  }
0xaa: {  	[dreg:$0x4] =	wrdreg $0xC0  }
0xab: {  	_ =	task [dreg:s6], $0x5FFFF  }
0xac: {  	[dreg:$0x1] =	wrdreg $0xFFFFFFFF  }
0xad: {  	[dreg:$0x0] =	wrdreg $0x60  }
0xae: {  	[dreg:$0x2] =	wrdreg s24  }
0xaf: {  	[dreg:$0x3] =	wrdreg $0x9  }
0xb0: {  	_ =	task.clear_ibuf [dreg:s6], $0x4FFFF;
	_ =	strace $0x90000046  }
0xb1: {  	s29 =	simm.s32 $0x9;
	_ =	strace $0x80000048  }
0xb2: {  	_ =	swait.ge [sflag:s29], $0x1  }
0xb3: {  	[sflag:s29] =	ssyncadd.s32 $0xFFFFFFFF  }
0xb4: {  	_ =	strace $0x90000048  }
0xb5: {  	_ =	sfence  }
0xb6: {  	s30 =	sld [smem:$0x0];
	_ =	sdelay $0x2  }
0xb7: {  	s31 =	sshll.u32 s1, $0xD;
	s1 =	sshrl.u32 s1, $0x2  }
0xb8: {  	s3 =	sand.u32 $0x4000, s31;
	s1 =	sadd.s32 s1, s30  }
0xb9: {  	s0 =	sor.u32 s3, s0;
	s1 =	sshll.u32 s1, $0x11  }
0xba: {  	s0 =	sor.u32 s1, s0  }
0xbb: {  	s0 =	sadd.s32 $0x8F2B, s0  }
0xbc: {  	[sflag:s0] =	ssyncadd.remote.s32 $0x1  }
0xbd: {  	_ =	sfence.sel $0xFFFF  }
0xbe: {  	[dreg:$0x0] =	wrdreg $0xFFFFFFFF;
	(pc) =	sbr.abs _section_cstart, $3  }
0xbf: {  	[dreg:$0x1] =	wrdreg $0xFFFFFFFF  }
0xc0: {  	_ =	task.clear_ibuf [dreg:s6], $0x2FFFF;
	_ =	strace $0x9FFFFFFF  }
0xc1: {  	(tm) =	ssettm $0x7FFFFFFF  }
tec
execute0_lowered:
.L_overlay_start_1:
0x0: {  	(tag) =	ssettag $0x1  }
0x1: {  	v1 =	vimm.s32 $0xFEDCBA9;
	v2 =	vimm.s32 $0x87654321;
	v0 =	vlaneseq.u32  }
0x2: {  	v4 =	vimm.s32 $0x210FEDCB;
	v5 =	vimm.s32 $0xA9876543;
	v19 =	vimm.s32 $0x6543210F  }
0x3: {  	v20 =	vimm.s32 $0xEDCBA987;
	v21 =	vimm.s32 $0xFEDCBA98;
	v22 =	vimm.s32 $0x76543210  }
0x4: {  	v3 =	vunpack.c.l.s4.s8 v1;
	v2 =	vunpack.c.l.s4.s8 v2;
	v1 =	vmul.u32 $0x80, v0  }
0x5: {  	v4 =	vunpack.c.l.s4.s8 v4;
	v19 =	vunpack.c.l.s4.s8 v19;
	v20 =	vunpack.c.l.s4.s8 v20  }
0x6: {  	v21 =	vunpack.c.l.s4.s8 v21;
	v9 =	vunpack.c.0.s8.s32 v3;
	v10 =	vunpack.c.0.s8.s32 v2  }
0x7: {  	v2 =	vimm.s32 $0x10FEDCBA;
	v3 =	vimm.s32 $0x98765432;
	v13 =	vunpack.c.0.s8.s32 v4  }
0x8: {  	v4 =	vimm.s32 $0x43210FED;
	v19 =	vunpack.c.0.s8.s32 v19;
	v20 =	vunpack.c.0.s8.s32 v20  }
0x9: {  	v2 =	vunpack.c.l.s4.s8 v2;
	v3 =	vunpack.c.l.s4.s8 v3;
	v6 =	vcombine.low v10, v9  }
0xa: {  	v4 =	vunpack.c.l.s4.s8 v4;
	v25 =	vcombine.low v20, v19;
	v10 =	vcombine.low v9, v10  }
0xb: {  	v11 =	vunpack.c.0.s8.s32 v2;
	v2 =	vunpack.c.l.s4.s8 v5;
	v12 =	vunpack.c.0.s8.s32 v3  }
0xc: {  	v3 =	vimm.s32 $0x3210FEDC;
	v5 =	vimm.s32 $0xCBA98765;
	v17 =	vunpack.c.0.s8.s32 v4  }
0xd: {  	v5 =	vunpack.c.l.s4.s8 v5;
	v9 =	vand.u32 $0xF, v25;
	v10 =	vand.u32 $0xF, v10  }
0xe: {  	v14 =	vunpack.c.0.s8.s32 v2;
	v2 =	vunpack.c.l.s4.s8 v3;
	v3 =	vimm.s32 $0xBA987654  }
0xf: {  	v7 =	vcombine.low v12, v11;
	v11 =	vcombine.low v11, v12;
	v3 =	vunpack.c.l.s4.s8 v3  }
0x10: {  	s3 =	rddreg [dreg:$0x0];
	v18 =	vunpack.c.0.s8.s32 v5;
	v8 =	vcombine.low v14, v13;
	v15 =	vunpack.c.0.s8.s32 v2  }
0x11: {  	s0 =	rddreg [dreg:$0x1];
	v2 =	vand.u32 $0xF, v6;
	v12 =	vcombine.low v13, v14;
	v11 =	vand.u32 $0xF, v11  }
0x12: {  	s1 =	simm.s32 $0x0;
	s4 =	srdreg.scid;
	s2 =	stileid.u32;
	v16 =	vunpack.c.0.s8.s32 v3;
	v3 =	vand.u32 $0xF, v7;
	v6 =	vcombine.low v18, v17  }
0x13: {  	s11 =	simm.s32 $0x8000;
	s12 =	simm.s32 $0x10000;
	s13 =	simm.s32 $0x2;
	v7 =	vimm.s32 $0x543210FE;
	v14 =	vcombine.low v17, v18;
	v17 =	vimm.f32 $0.0e+00  }
0x14: {  	s14 =	simm.s32 $0xC000;
	s15 =	simm.s32 $0x3;
	s16 =	simm.s32 $0x0;
	v4 =	vand.u32 $0xF, v8;
	v8 =	vimm.s32 $0xDCBA9876;
	v7 =	vunpack.c.l.s4.s8 v7  }
0x15: {  	[smem:$0x7FF] =	sst s1;
	s4 =	sand.u32 $0x1, s4;
	s5 =	sadd.s32 $0x1000, s3;
	v12 =	vand.u32 $0xF, v12;
	v5 =	vcombine.low v16, v15;
	v8 =	vunpack.c.l.s4.s8 v8  }
0x16: {  	s6 =	sshll.u32 s2, $0xD;
	s8 =	sadd.s32 $0x21000, s3;
	s7 =	sshll.u32 s4, $0xC;
	v6 =	vand.u32 $0xF, v6;
	v23 =	vunpack.c.0.s8.s32 v7;
	v7 =	vunpack.c.l.s4.s8 v22  }
0x17: {  	_ =	strace $0x80000047;
	s4 =	ssub.s32 $0x2, s4;
	s6 =	sor.u32 s7, s6;
	v13 =	vcombine.low v15, v16;
	v24 =	vunpack.c.0.s8.s32 v8;
	v8 =	vunpack.c.0.s8.s32 v21  }
0x18: {  	s31 =	sshrl.u32 s4, $0x1;
	s7 =	sadd.s32 s6, s3;
	s9 =	sor.u32 $0x800, s6;
	v16 =	vcombine.low v19, v20;
	v14 =	vand.u32 $0xF, v14;
	v22 =	vunpack.c.0.s8.s32 v7  }
0x19: {  	s10 =	ssub.s32 s4, s31;
	s3 =	sadd.s32 s5, s6;
	s4 =	sadd.s32 s5, s9;
	v63 =	vcombine.low v24, v23;
	v8 =	vand.u32 $0xF, v8;
	v15 =	vcombine.low v23, v24  }
0x1a: {  	s5 =	sadd.s32 s8, s6;
	s6 =	sadd.s32 s8, s9;
	s7 =	sadd.s32 $0x41000, s7;
	v5 =	vand.u32 $0xF, v5;
	v13 =	vand.u32 $0xF, v13;
	v8 =	vcombine.low v8, v22  }
0x1b: {  	s8 =	smax.u32 s10, $0x1;
	s9 =	simm.s32 $0x4000;
	s10 =	simm.s32 $0x1;
	v16 =	vand.u32 $0xF, v16;
	v7 =	vand.u32 $0xF, v63;
	v15 =	vand.u32 $0xF, v15  }
.LBB2_1:
0x1c: {  	v18 =	vmov s1  }
0x1d: {  	v18 =	vshll.u32 v18, $0x7  }
0x1e: {  	[tilespmem:s1], [sflag:$0x1] =	stream.linear.gather [hbm4b:s3+s1], $0x4000, $0x38;
	v19 =	vor.u32 v1, v18;
	[tilespmem:$0x18000] =	vst v63  }
0x1f: {  	v18 =	vor.u32 v2, v19  }
0x20: {  	[tilespmem:s9], [sflag:$0x1] =	stream.linear.gather [hbm4b:s4+s1], $0x4000, $0x38;
	[tilespmem:$0x18000] =	vst v63  }
0x21: {  	_ =	swait.ge [sflag:s10], $0x4000;
	v20 =	vor.u32 v0, v19  }
0x22: {  	[sflag:s10] =	ssyncset.done $0x0  }
0x23: {  	v21 =	vor.u32 v3, v19;
	[sflag:s10] =	ssyncadd.s32 $0xFFFFC000  }
0x24: {  	v18 =	vld.idx.msk [tilespmem:v18+s1+$0x0], $0xffff;
	_ =	sdelay $0x1  }
0x25: {  	v22 =	vor.u32 v4, v19;
	v20 =	vld.idx.msk [tilespmem:v20+s1+$0x0], $0xffff;
	_ =	sdelay $0x1  }
0x26: {  	v21 =	vld.idx.msk [tilespmem:v21+s1+$0x0], $0xffff  }
0x27: {  	v23 =	vor.u32 v5, v19;
	vm0 =	vlt.f32 v18, $-Inf;
	vm1 =	vgt.f32 v18, $-Inf  }
0x28: {  	vm1 =	vmor vm1, vm0  }
0x29: {  	v22 =	vld.idx.msk [tilespmem:v22+s1+$0x0], $0xffff;
	vm7 =	vgt.f32 v18, v20;
	v24 =	vnsel vm1, $0xFF800000, v18  }
0x2a: {  	v24 =	vsel vm7, v20, v24  }
0x2b: {  	v25 =	vor.u32 v6, v19;
	v18 =	vsel vm7, v18, v20;
	vm12 =	vgt.f32 v21, v24  }
0x2c: {  	v20 =	vld.idx.msk [tilespmem:v23+s1+$0x0], $0xffff;
	vm9 =	vgt.f32 v21, v18;
	v23 =	vsel vm12, v21, v24  }
0x2d: {  	v24 =	vor.u32 v7, v19;
	v23 =	vsel vm9, v18, v23  }
0x2e: {  	v18 =	vsel vm9, v21, v18;
	v21 =	vimm.s32 $0x0;
	vm5 =	vgt.f32 v22, v23  }
0x2f: {  	vm8 =	vgt.f32 v22, v18;
	v21 =	vsel vm5, $0xFFFFFFFF, v21;
	v23 =	vsel vm5, v22, v23  }
0x30: {  	[tilespmem:$0x1FF60] =	vst v21;
	v21 =	vld.idx.msk [tilespmem:v25+s1+$0x0], $0xffff;
	v23 =	vsel vm8, v18, v23  }
0x31: {  	v18 =	vsel vm8, v22, v18;
	v22 =	vimm.s32 $0x0;
	vm13 =	vgt.f32 v20, v23  }
0x32: {  	v25 =	vor.u32 v9, v19;
	v22 =	vsel vm13, $0xFFFFFFFF, v22  }
0x33: {  	vm11 =	vgt.f32 v20, v18;
	v23 =	vsel vm13, v20, v23;
	[tilespmem:$0x1FF70] =	vst v22;
	v22 =	vld.idx.msk [tilespmem:v24+s1+$0x0], $0xffff  }
0x34: {  	v24 =	vor.u32 v8, v19;
	v23 =	vsel vm11, v18, v23  }
0x35: {  	v18 =	vsel vm11, v20, v18;
	v20 =	vimm.s32 $0x0;
	vm14 =	vgt.f32 v21, v23  }
0x36: {  	vm6 =	vgt.f32 v21, v18;
	v20 =	vsel vm14, $0xFFFFFFFF, v20;
	v23 =	vsel vm14, v21, v23  }
0x37: {  	[tilespmem:$0x1FF80] =	vst v20;
	v20 =	vld.idx.msk [tilespmem:v25+s1+$0x0], $0xffff;
	v23 =	vsel vm6, v18, v23  }
0x38: {  	v18 =	vsel vm6, v21, v18;
	v21 =	vimm.s32 $0x0;
	vm15 =	vgt.f32 v22, v23  }
0x39: {  	v25 =	vor.u32 v10, v19;
	v21 =	vsel vm15, $0xFFFFFFFF, v21  }
0x3a: {  	vm10 =	vgt.f32 v22, v18;
	v23 =	vsel vm15, v22, v23;
	[tilespmem:$0x1FF90] =	vst v21;
	v21 =	vld.idx.msk [tilespmem:v24+s1+$0x0], $0xffff  }
0x3b: {  	v24 =	vor.u32 v11, v19;
	v23 =	vsel vm10, v18, v23  }
0x3c: {  	v18 =	vsel vm10, v22, v18;
	v22 =	vimm.s32 $0x0;
	vm4 =	vgt.f32 v20, v23  }
0x3d: {  	vm13 =	vgt.f32 v20, v18;
	v22 =	vsel vm4, $0xFFFFFFFF, v22;
	v23 =	vsel vm4, v20, v23  }
0x3e: {  	[tilespmem:$0x1FFA0] =	vst v22;
	v22 =	vld.idx.msk [tilespmem:v25+s1+$0x0], $0xffff;
	v23 =	vsel vm13, v18, v23  }
0x3f: {  	v18 =	vsel vm13, v20, v18;
	v20 =	vimm.s32 $0x0;
	vm5 =	vgt.f32 v21, v23  }
0x40: {  	v25 =	vor.u32 v12, v19;
	v20 =	vsel vm5, $0xFFFFFFFF, v20  }
0x41: {  	vm15 =	vgt.f32 v21, v18;
	v23 =	vsel vm5, v21, v23;
	[tilespmem:$0x1FFB0] =	vst v20;
	v20 =	vld.idx.msk [tilespmem:v24+s1+$0x0], $0xffff  }
0x42: {  	v24 =	vor.u32 v13, v19;
	v23 =	vsel vm15, v18, v23  }
0x43: {  	v18 =	vsel vm15, v21, v18;
	v21 =	vimm.s32 $0x0;
	vm14 =	vgt.f32 v22, v23  }
0x44: {  	vm5 =	vgt.f32 v22, v18;
	v21 =	vsel vm14, $0xFFFFFFFF, v21;
	v23 =	vsel vm14, v22, v23  }
0x45: {  	[tilespmem:$0x1FFC0] =	vst v21;
	v21 =	vld.idx.msk [tilespmem:v25+s1+$0x0], $0xffff;
	v25 =	vor.u32 v14, v19;
	v23 =	vsel vm5, v18, v23  }
0x46: {  	v18 =	vsel vm5, v22, v18;
	v22 =	vimm.s32 $0x0;
	vm4 =	vgt.f32 v20, v23  }
0x47: {  	v22 =	vsel vm4, $0xFFFFFFFF, v22  }
0x48: {  	v23 =	vsel vm4, v20, v23;
	vm4 =	vgt.f32 v20, v18;
	[tilespmem:$0x1FFD0] =	vst v22;
	v22 =	vld.idx.msk [tilespmem:v24+s1+$0x0], $0xffff  }
0x49: {  	v23 =	vsel vm4, v18, v23  }
0x4a: {  	v24 =	vor.u32 v15, v19;
	v18 =	vsel vm4, v20, v18;
	vm14 =	vgt.f32 v21, v23  }
0x4b: {  	v20 =	vld.idx.msk [tilespmem:v25+s1+$0x0], $0xffff;
	vm3 =	vgt.f32 v21, v18;
	v23 =	vsel vm14, v21, v23  }
0x4c: {  	v25 =	vor.u32 v16, v19;
	v23 =	vsel vm3, v18, v23  }
0x4d: {  	v18 =	vsel vm3, v21, v18;
	v21 =	vimm.s32 $0x0;
	vm0 =	vgt.f32 v22, v23  }
0x4e: {  	vm2 =	vgt.f32 v22, v18;
	v21 =	vsel vm0, $0xFFFFFFFF, v21;
	v23 =	vsel vm0, v22, v23  }
0x4f: {  	[tilespmem:$0x1FFE0] =	vst v21;
	v21 =	vld.idx.msk [tilespmem:v24+s1+$0x0], $0xffff;
	v23 =	vsel vm2, v18, v23  }
0x50: {  	v18 =	vsel vm2, v22, v18;
	v22 =	vimm.s32 $0x0;
	vm0 =	vgt.f32 v20, v23  }
0x51: {  	v22 =	vsel vm0, $0xFFFFFFFF, v22  }
0x52: {  	v23 =	vsel vm0, v20, v23;
	[tilespmem:$0x1FFF0] =	vst v22;
	v22 =	vnsel vm1, $0x0, v2;
	vm1 =	vgt.f32 v20, v18  }
0x53: {  	v24 =	vld.idx.msk [tilespmem:v25+s1+$0x0], $0xffff;
	v25 =	vsel vm7, v2, v0;
	v22 =	vsel vm7, v0, v22;
	v23 =	vsel vm1, v18, v23  }
0x54: {  	v18 =	vsel vm1, v20, v18;
	v22 =	vsel vm12, v3, v22;
	vm7 =	vgt.f32 v21, v23  }
0x55: {  	v20 =	vsel vm9, v25, v22;
	v22 =	vsel vm7, v21, v23;
	v23 =	vsel vm9, v3, v25;
	v25 =	vld [tilespmem:$0x1FF60];
	_ =	sdelay $0x3  }
0x56: {  	vm0 =	vgt.f32 v21, v18  }
0x57: {  	v22 =	vsel vm0, v18, v22;
	v18 =	vsel vm0, v21, v18;
	vm12 =	vnez.u8 v25  }
0x58: {  	v21 =	vsel vm8, v4, v23;
	vm9 =	vgt.f32 v24, v22;
	v20 =	vsel vm12, v4, v20  }
0x59: {  	v22 =	vsel vm9, v24, v22;
	v20 =	vsel vm8, v23, v20;
	vm8 =	vgt.f32 v24, v18  }
0x5a: {  	v23 =	vld [tilespmem:$0x1FF70];
	v22 =	vsel vm8, v18, v22;
	v18 =	vsel vm8, v24, v18  }
0x5b: {  	v18 =	vsub.f32 v22, v18;
	v22 =	vld [tilespmem:$0x1FF80];
	_ =	sdelay $0x3  }
0x5c: {  	vm12 =	vnez.u8 v23  }
0x5d: {  	v20 =	vsel vm12, v5, v20;
	vm12 =	vnez.u8 v22;
	v22 =	vld [tilespmem:$0x1FF90];
	_ =	sdelay $0x2  }
0x5e: {  	v20 =	vsel vm11, v21, v20  }
0x5f: {  	v21 =	vsel vm11, v5, v21;
	v20 =	vsel vm12, v6, v20  }
0x60: {  	v18 =	vmul.f32 $1.442695020e+00, v18;
	v20 =	vsel vm6, v21, v20;
	vm12 =	vnez.u8 v22  }
0x61: {  	v21 =	vsel vm6, v6, v21;
	v20 =	vsel vm12, v7, v20  }
0x62: {  	(erf) = vpow2.f32 v18;
	v18 =	vsel vm10, v21, v20;
	v20 =	vsel vm10, v7, v21;
	v21 =	vld [tilespmem:$0x1FFA0];
	_ =	sdelay $0x4  }
0x63: {  	vm10 =	vnez.u8 v21;
	v21 =	vld [tilespmem:$0x1FFB0];
	_ =	sdelay $0x4  }
0x64: {  	vm11 =	vnez.u8 v21;
	v21 =	vld [tilespmem:$0x1FFC0];
	_ =	sdelay $0x4  }
0x65: {  	vm12 =	vnez.u8 v21;
	v21 =	vld [tilespmem:$0x1FFD0]  }
0x66: {  	v18 =	vsel vm10, v9, v18  }
0x67: {  	v18 =	vsel vm13, v20, v18  }
0x68: {  	v20 =	vsel vm13, v9, v20;
	v18 =	vsel vm11, v8, v18  }
0x69: {  	v22 =	vpop (erf);
	v18 =	vsel vm15, v20, v18;
	v20 =	vsel vm15, v8, v20  }
0x6a: {  	v23 =	vld [tilespmem:$0x1FFE0];
	v18 =	vsel vm12, v10, v18;
	vm13 =	vnez.u8 v21;
	v21 =	vadd.f32 $1.000000000e+00, v22  }
0x6b: {  	s17 =	simm.s32 $0x8400;
	v18 =	vsel vm5, v20, v18  }
0x6c: {  	[tilespmem:s17+$0xFFFFFC00] =	vst v17;
	v20 =	vsel vm5, v10, v20;
	v18 =	vsel vm13, v11, v18;
	(erf) = vrcp.f32 v21;
	v21 =	vld [tilespmem:$0x1FFF0]  }
0x6d: {  	[tilespmem:s17+$0xFFFFFC80] =	vst v17;
	v18 =	vsel vm4, v20, v18  }
0x6e: {  	[tilespmem:s17+$0xFFFFFD00] =	vst v17;
	v20 =	vsel vm4, v11, v20;
	v18 =	vsel vm14, v12, v18  }
0x6f: {  	[tilespmem:s17+$0xFFFFFD80] =	vst v17;
	vm14 =	vnez.u8 v23;
	v18 =	vsel vm3, v20, v18  }
0x70: {  	[tilespmem:s17+$0xFFFFFE80] =	vst v17;
	v20 =	vsel vm3, v12, v20;
	v18 =	vsel vm14, v13, v18  }
0x71: {  	[tilespmem:s17+$0xFFFFFF00] =	vst v17;
	v18 =	vsel vm2, v20, v18;
	vm15 =	vnez.u8 v21  }
0x72: {  	[tilespmem:s17+$0x80] =	vst v17;
	v20 =	vsel vm2, v13, v20;
	v18 =	vsel vm15, v14, v18  }
0x73: {  	[tilespmem:s17+$0x100] =	vst v17;
	v18 =	vsel vm1, v20, v18  }
0x74: {  	[tilespmem:s17+$0x280] =	vst v17;
	v20 =	vsel vm1, v14, v20;
	v18 =	vsel vm7, v15, v18  }
0x75: {  	[tilespmem:s17+$0x200] =	vst v17;
	v18 =	vsel vm0, v20, v18;
	v20 =	vsel vm0, v15, v20  }
0x76: {  	[tilespmem:s17+$0x0] =	vst v17;
	v18 =	vsel vm9, v16, v18;
	v30 =	vsel vm8, v16, v20  }
0x77: {  	[tilespmem:s17+$0xFFFFFF80] =	vst v17;
	v20 =	vsel vm8, v20, v18;
	v23 =	vor.u32 v19, v30  }
0x78: {  	[tilespmem:s17+$0x300] =	vst v17;
	v29 =	vor.u32 v19, v20  }
0x79: {  	[tilespmem:s17+$0x380] =	vst v17  }
0x7a: {  	s18 =	simm.s32 $0x10;
	[tilespmem:s17+$0xFFFFFE00] =	vst v17;
	v24 =	vpop (erf)  }
0x7b: {  	[tilespmem:s17+$0x180] =	vst v17;
	v22 =	vmul.f32 v24, v22;
	v18 =	vmov s18  }
0x7c: {  	v18 =	vshll.u32 v18, $0x7;
	[tilespmem:v23+s11+$0x0] =	vst.idx.msk $0xffff, v24  }
0x7d: {  	v18 =	vor.u32 v1, v18;
	[tilespmem:v29+s11+$0x0] =	vst.idx.msk $0xffff, v22;
	v29 =	vor.u32 $0x1, v19  }
0x7e: {  	v27 =	vor.u32 v0, v18;
	v21 =	vor.u32 v2, v18;
	v28 =	vor.u32 v3, v18  }
0x7f: {  	v26 =	vor.u32 v4, v18;
	v25 =	vor.u32 v5, v18;
	v24 =	vor.u32 v6, v18  }
0x80: {  	s18 =	simm.s32 $0x20;
	v23 =	vor.u32 v7, v18;
	v22 =	vor.u32 v9, v18;
	[tilespmem:v19+s12+$0x0] =	vst.idx.msk $0xffff, v30  }
.LBB2_2:
0x81: {  	p0 =	sne.s32 s18, $0x70  }
0x82: {  	v30 =	vor.u32 v8, v18;
	v31 =	vor.u32 v10, v18;
	[tilespmem:v29+s12+$0x0] =	vst.idx.msk $0xffff, v20;
	s17 =	sadd.s32 $0x800, s17;
	s19 =	smov.u32 s18;
	s18 =	sadd.s32 $0x10, s18  }
0x83: {  	v32 =	vor.u32 v11, v18;
	v33 =	vor.u32 v12, v18;
	v34 =	vor.u32 v13, v18;
	v29 =	vld.idx.msk [tilespmem:v21+s1+$0x0], $0xffff  }
0x84: {  	v19 =	vor.u32 v15, v18;
	v20 =	vor.u32 v16, v18;
	v21 =	vor.u32 v14, v18  }
0x85: {  	v27 =	vld.idx.msk [tilespmem:v27+s1+$0x0], $0xffff;
	_ =	sdelay $0x1  }
0x86: {  	v28 =	vld.idx.msk [tilespmem:v28+s1+$0x0], $0xffff;
	_ =	sdelay $0x1  }
0x87: {  	vm0 =	vlt.f32 v29, $-Inf;
	vm1 =	vgt.f32 v29, $-Inf  }
0x88: {  	vm0 =	vmor vm1, vm0;
	v26 =	vld.idx.msk [tilespmem:v26+s1+$0x0], $0xffff  }
0x89: {  	vm1 =	vgt.f32 v29, v27;
	v35 =	vnsel vm0, $0xFF800000, v29;
	v36 =	vnsel vm0, $0x0, v2  }
0x8a: {  	v35 =	vsel vm1, v27, v35;
	v36 =	vsel vm1, v0, v36;
	v27 =	vsel vm1, v29, v27  }
0x8b: {  	v29 =	vsel vm1, v2, v0;
	vm0 =	vgt.f32 v28, v35;
	v25 =	vld.idx.msk [tilespmem:v25+s1+$0x0], $0xffff  }
0x8c: {  	vm1 =	vgt.f32 v28, v27;
	v35 =	vsel vm0, v28, v35;
	v36 =	vsel vm0, v3, v36  }
0x8d: {  	v35 =	vsel vm1, v27, v35;
	v36 =	vsel vm1, v29, v36;
	v27 =	vsel vm1, v28, v27  }
0x8e: {  	v28 =	vsel vm1, v3, v29;
	vm0 =	vgt.f32 v26, v35;
	v24 =	vld.idx.msk [tilespmem:v24+s1+$0x0], $0xffff  }
0x8f: {  	vm1 =	vgt.f32 v26, v27;
	v29 =	vsel vm0, v26, v35;
	v35 =	vsel vm0, v4, v36  }
0x90: {  	v29 =	vsel vm1, v27, v29;
	v35 =	vsel vm1, v28, v35;
	v28 =	vsel vm1, v4, v28  }
0x91: {  	v26 =	vsel vm1, v26, v27;
	vm0 =	vgt.f32 v25, v29;
	v23 =	vld.idx.msk [tilespmem:v23+s1+$0x0], $0xffff  }
0x92: {  	vm1 =	vgt.f32 v25, v26;
	v27 =	vsel vm0, v25, v29;
	v29 =	vsel vm0, v5, v35  }
0x93: {  	v27 =	vsel vm1, v26, v27;
	v29 =	vsel vm1, v28, v29  }
0x94: {  	v25 =	vsel vm1, v25, v26;
	v26 =	vsel vm1, v5, v28;
	vm0 =	vgt.f32 v24, v27;
	v22 =	vld.idx.msk [tilespmem:v22+s1+$0x0], $0xffff  }
0x95: {  	vm1 =	vgt.f32 v24, v25;
	v27 =	vsel vm0, v24, v27;
	v28 =	vsel vm0, v6, v29  }
0x96: {  	v27 =	vsel vm1, v25, v27;
	v28 =	vsel vm1, v26, v28;
	v26 =	vsel vm1, v6, v26  }
0x97: {  	v24 =	vsel vm1, v24, v25;
	vm0 =	vgt.f32 v23, v27;
	v25 =	vld.idx.msk [tilespmem:v30+s1+$0x0], $0xffff  }
0x98: {  	vm1 =	vgt.f32 v23, v24;
	v27 =	vsel vm0, v23, v27;
	v28 =	vsel vm0, v7, v28  }
0x99: {  	v27 =	vsel vm1, v24, v27;
	v28 =	vsel vm1, v26, v28  }
0x9a: {  	v23 =	vsel vm1, v23, v24;
	v24 =	vsel vm1, v7, v26;
	vm0 =	vgt.f32 v22, v27;
	v26 =	vld.idx.msk [tilespmem:v31+s1+$0x0], $0xffff  }
0x9b: {  	vm1 =	vgt.f32 v22, v23;
	v27 =	vsel vm0, v22, v27;
	v28 =	vsel vm0, v9, v28  }
0x9c: {  	v27 =	vsel vm1, v23, v27;
	v28 =	vsel vm1, v24, v28  }
0x9d: {  	v22 =	vsel vm1, v22, v23;
	v23 =	vsel vm1, v9, v24;
	vm0 =	vgt.f32 v25, v27;
	v24 =	vld.idx.msk [tilespmem:v32+s1+$0x0], $0xffff  }
0x9e: {  	vm1 =	vgt.f32 v25, v22;
	v27 =	vsel vm0, v25, v27;
	v28 =	vsel vm0, v8, v28  }
0x9f: {  	v27 =	vsel vm1, v22, v27;
	v28 =	vsel vm1, v23, v28  }
0xa0: {  	v22 =	vsel vm1, v25, v22;
	v23 =	vsel vm1, v8, v23;
	vm0 =	vgt.f32 v26, v27;
	v25 =	vld.idx.msk [tilespmem:v33+s1+$0x0], $0xffff  }
0xa1: {  	vm1 =	vgt.f32 v26, v22;
	v27 =	vsel vm0, v26, v27;
	v28 =	vsel vm0, v10, v28  }
0xa2: {  	v27 =	vsel vm1, v22, v27;
	v28 =	vsel vm1, v23, v28  }
0xa3: {  	v22 =	vsel vm1, v26, v22;
	v23 =	vsel vm1, v10, v23;
	vm0 =	vgt.f32 v24, v27;
	v26 =	vld.idx.msk [tilespmem:v34+s1+$0x0], $0xffff  }
0xa4: {  	vm1 =	vgt.f32 v24, v22;
	v27 =	vsel vm0, v24, v27;
	v28 =	vsel vm0, v11, v28  }
0xa5: {  	v27 =	vsel vm1, v22, v27;
	v28 =	vsel vm1, v23, v28;
	v22 =	vsel vm1, v24, v22  }
0xa6: {  	v23 =	vsel vm1, v11, v23;
	vm0 =	vgt.f32 v25, v27;
	v21 =	vld.idx.msk [tilespmem:v21+s1+$0x0], $0xffff  }
0xa7: {  	vm1 =	vgt.f32 v25, v22;
	v24 =	vsel vm0, v25, v27;
	v27 =	vsel vm0, v12, v28  }
0xa8: {  	v24 =	vsel vm1, v22, v24;
	v22 =	vsel vm1, v25, v22;
	v25 =	vsel vm1, v12, v23;
	v28 =	vld.idx.msk [tilespmem:v20+s1+$0x0], $0xffff  }
0xa9: {  	v20 =	vsel vm1, v23, v27;
	vm0 =	vgt.f32 v26, v24;
	v19 =	vld.idx.msk [tilespmem:v19+s1+$0x0], $0xffff  }
0xaa: {  	vm1 =	vgt.f32 v26, v22;
	v23 =	vsel vm0, v26, v24;
	v20 =	vsel vm0, v13, v20;
	[tilespmem:s17+$0xFFFFFC00] =	vst v17  }
0xab: {  	v24 =	vsel vm1, v13, v25;
	v23 =	vsel vm1, v22, v23;
	v20 =	vsel vm1, v25, v20;
	[tilespmem:s17+$0xFFFFFC80] =	vst v17  }
0xac: {  	v22 =	vsel vm1, v26, v22;
	vm0 =	vgt.f32 v21, v23;
	[tilespmem:s17+$0xFFFFFD00] =	vst v17  }
0xad: {  	vm1 =	vgt.f32 v21, v22;
	v23 =	vsel vm0, v21, v23;
	v20 =	vsel vm0, v14, v20;
	[tilespmem:s17+$0xFFFFFD80] =	vst v17  }
0xae: {  	v23 =	vsel vm1, v22, v23;
	v20 =	vsel vm1, v24, v20;
	v24 =	vsel vm1, v14, v24;
	[tilespmem:s17+$0xFFFFFE80] =	vst v17  }
0xaf: {  	v21 =	vsel vm1, v21, v22;
	vm0 =	vgt.f32 v19, v23;
	[tilespmem:s17+$0xFFFFFF00] =	vst v17  }
0xb0: {  	vm1 =	vgt.f32 v19, v21;
	v22 =	vsel vm0, v19, v23;
	v20 =	vsel vm0, v15, v20;
	[tilespmem:s17+$0x80] =	vst v17  }
0xb1: {  	v19 =	vsel vm1, v19, v21;
	v22 =	vsel vm1, v21, v22;
	v20 =	vsel vm1, v24, v20;
	[tilespmem:s17+$0x100] =	vst v17  }
0xb2: {  	v21 =	vsel vm1, v15, v24;
	vm1 =	vgt.f32 v28, v22;
	[tilespmem:s17+$0x280] =	vst v17  }
0xb3: {  	vm0 =	vgt.f32 v28, v19;
	v22 =	vsel vm1, v28, v22;
	v20 =	vsel vm1, v16, v20;
	[tilespmem:s17+$0x200] =	vst v17  }
0xb4: {  	v22 =	vsel vm0, v19, v22;
	v20 =	vsel vm0, v21, v20;
	v19 =	vsel vm0, v28, v19;
	[tilespmem:s17+$0x0] =	vst v17  }
0xb5: {  	v19 =	vsub.f32 v22, v19;
	v22 =	vor.u32 v18, v20;
	[tilespmem:s17+$0xFFFFFF80] =	vst v17  }
0xb6: {  	[tilespmem:s17+$0x300] =	vst v17  }
0xb7: {  	v19 =	vmul.f32 $1.442695020e+00, v19;
	[tilespmem:s17+$0x380] =	vst v17  }
0xb8: {  	[tilespmem:s17+$0xFFFFFE00] =	vst v17  }
0xb9: {  	[tilespmem:s17+$0x180] =	vst v17;
	(erf) = vpow2.f32 v19;
	_ =	sdelay $0x8  }
0xba: {  	v19 =	vpop (erf)  }
0xbb: {  	v23 =	vadd.f32 $1.000000000e+00, v19;
	_ =	sdelay $0x1  }
0xbc: {  	(erf) = vrcp.f32 v23;
	_ =	sdelay $0x4  }
0xbd: {  	v30 =	vsel vm0, v16, v21  }
0xbe: {  	v23 =	vor.u32 v18, v30  }
0xbf: {  	v21 =	vmov s19  }
0xc0: {  	v21 =	vshll.u32 v21, $0x7  }
.Ltmp0:
0xc1: {  	v29 =	vor.u32 $0x1, v18;
	v31 =	vor.u32 v1, v21;
	v24 =	vpop (erf);
	(pc) =	sbr.rel @p0 .LBB2_2-.Ltmp0, $4  }
0xc2: {  	v27 =	vor.u32 v0, v31;
	v21 =	vor.u32 v2, v31;
	v19 =	vmul.f32 v24, v19  }
0xc3: {  	v28 =	vor.u32 v3, v31;
	v26 =	vor.u32 v4, v31;
	[tilespmem:v23+s11+$0x0] =	vst.idx.msk $0xffff, v24  }
0xc4: {  	v25 =	vor.u32 v5, v31;
	v24 =	vor.u32 v6, v31;
	[tilespmem:v22+s11+$0x0] =	vst.idx.msk $0xffff, v19  }
0xc5: {  	v23 =	vor.u32 v7, v31;
	v22 =	vor.u32 v9, v31;
	[tilespmem:v18+s12+$0x0] =	vst.idx.msk $0xffff, v30;
	v18 =	vmov v31  }
0xc6: {  	_ =	sdelay $0x3  }
0xc7: {  	[tilespmem:v29+s12+$0x0] =	vst.idx.msk $0xffff, v20  }
0xc8: {  	v19 =	vld.idx.msk [tilespmem:v21+s1+$0x0], $0xffff;
	_ =	sdelay $0x1  }
0xc9: {  	v20 =	vld.idx.msk [tilespmem:v27+s1+$0x0], $0xffff;
	_ =	sdelay $0x1  }
0xca: {  	v21 =	vld.idx.msk [tilespmem:v28+s1+$0x0], $0xffff  }
0xcb: {  	vm0 =	vlt.f32 v19, $-Inf;
	vm1 =	vgt.f32 v19, $-Inf  }
0xcc: {  	vm12 =	vmor vm1, vm0  }
0xcd: {  	v26 =	vld.idx.msk [tilespmem:v26+s1+$0x0], $0xffff;
	vm0 =	vgt.f32 v19, v20;
	v27 =	vnsel vm12, $0xFF800000, v19  }
0xce: {  	v27 =	vsel vm0, v20, v27  }
0xcf: {  	v19 =	vsel vm0, v19, v20;
	vm11 =	vgt.f32 v21, v27  }
0xd0: {  	v20 =	vld.idx.msk [tilespmem:v25+s1+$0x0], $0xffff;
	vm7 =	vgt.f32 v21, v19;
	v25 =	vsel vm11, v21, v27  }
0xd1: {  	v25 =	vsel vm7, v19, v25  }
0xd2: {  	v19 =	vsel vm7, v21, v19;
	v21 =	vimm.s32 $0x0;
	vm5 =	vgt.f32 v26, v25  }
0xd3: {  	v21 =	vsel vm5, $0xFFFFFFFF, v21  }
0xd4: {  	vm8 =	vgt.f32 v26, v19;
	[tilespmem:$0x1FE20] =	vst v21;
	v21 =	vld.idx.msk [tilespmem:v24+s1+$0x0], $0xffff;
	v24 =	vsel vm5, v26, v25  }
0xd5: {  	v24 =	vsel vm8, v19, v24  }
0xd6: {  	v19 =	vsel vm8, v26, v19;
	vm13 =	vgt.f32 v20, v24  }
0xd7: {  	v25 =	vimm.s32 $0x0;
	vm10 =	vgt.f32 v20, v19;
	v24 =	vsel vm13, v20, v24  }
0xd8: {  	v23 =	vld.idx.msk [tilespmem:v23+s1+$0x0], $0xffff;
	v25 =	vsel vm13, $0xFFFFFFFF, v25;
	v24 =	vsel vm10, v19, v24  }
0xd9: {  	v19 =	vsel vm10, v20, v19;
	v20 =	vimm.s32 $0x0;
	vm14 =	vgt.f32 v21, v24  }
0xda: {  	[tilespmem:$0x1FE30] =	vst v25;
	v25 =	vor.u32 v8, v18;
	v20 =	vsel vm14, $0xFFFFFFFF, v20  }
0xdb: {  	vm6 =	vgt.f32 v21, v19;
	[tilespmem:$0x1FE40] =	vst v20;
	v20 =	vld.idx.msk [tilespmem:v22+s1+$0x0], $0xffff;
	v22 =	vsel vm14, v21, v24  }
0xdc: {  	v22 =	vsel vm6, v19, v22  }
0xdd: {  	v19 =	vsel vm6, v21, v19;
	v21 =	vimm.s32 $0x0;
	vm15 =	vgt.f32 v23, v22  }
0xde: {  	v24 =	vor.u32 v10, v18;
	v21 =	vsel vm15, $0xFFFFFFFF, v21  }
0xdf: {  	vm9 =	vgt.f32 v23, v19;
	v22 =	vsel vm15, v23, v22;
	[tilespmem:$0x1FE50] =	vst v21;
	v21 =	vld.idx.msk [tilespmem:v25+s1+$0x0], $0xffff  }
0xe0: {  	v25 =	vor.u32 v11, v18;
	v22 =	vsel vm9, v19, v22  }
0xe1: {  	v19 =	vsel vm9, v23, v19;
	v23 =	vimm.s32 $0x0;
	vm4 =	vgt.f32 v20, v22  }
0xe2: {  	vm13 =	vgt.f32 v20, v19;
	v23 =	vsel vm4, $0xFFFFFFFF, v23;
	v22 =	vsel vm4, v20, v22  }
0xe3: {  	[tilespmem:$0x1FE60] =	vst v23;
	v23 =	vld.idx.msk [tilespmem:v24+s1+$0x0], $0xffff;
	v22 =	vsel vm13, v19, v22  }
0xe4: {  	v19 =	vsel vm13, v20, v19;
	v20 =	vimm.s32 $0x0;
	vm5 =	vgt.f32 v21, v22  }
0xe5: {  	v24 =	vor.u32 v12, v18;
	v20 =	vsel vm5, $0xFFFFFFFF, v20  }
0xe6: {  	vm15 =	vgt.f32 v21, v19;
	v22 =	vsel vm5, v21, v22;
	[tilespmem:$0x1FE70] =	vst v20;
	v20 =	vld.idx.msk [tilespmem:v25+s1+$0x0], $0xffff  }
0xe7: {  	v25 =	vor.u32 v13, v18;
	v22 =	vsel vm15, v19, v22  }
0xe8: {  	v19 =	vsel vm15, v21, v19;
	v21 =	vimm.s32 $0x0;
	vm14 =	vgt.f32 v23, v22  }
0xe9: {  	vm5 =	vgt.f32 v23, v19;
	v21 =	vsel vm14, $0xFFFFFFFF, v21;
	v22 =	vsel vm14, v23, v22  }
0xea: {  	[tilespmem:$0x1FE80] =	vst v21;
	v21 =	vld.idx.msk [tilespmem:v24+s1+$0x0], $0xffff;
	v24 =	vor.u32 v14, v18;
	v22 =	vsel vm5, v19, v22  }
0xeb: {  	v19 =	vsel vm5, v23, v19;
	v23 =	vimm.s32 $0x0;
	vm4 =	vgt.f32 v20, v22  }
0xec: {  	v23 =	vsel vm4, $0xFFFFFFFF, v23  }
0xed: {  	v22 =	vsel vm4, v20, v22;
	vm4 =	vgt.f32 v20, v19;
	[tilespmem:$0x1FE90] =	vst v23;
	v23 =	vld.idx.msk [tilespmem:v25+s1+$0x0], $0xffff  }
0xee: {  	v22 =	vsel vm4, v19, v22  }
0xef: {  	v19 =	vsel vm4, v20, v19;
	vm14 =	vgt.f32 v21, v22  }
0xf0: {  	v20 =	vld.idx.msk [tilespmem:v24+s1+$0x0], $0xffff;
	vm3 =	vgt.f32 v21, v19;
	v22 =	vsel vm14, v21, v22  }
0xf1: {  	v22 =	vsel vm3, v19, v22  }
0xf2: {  	v25 =	vor.u32 v15, v18;
	v19 =	vsel vm3, v21, v19;
	vm1 =	vgt.f32 v23, v22  }
0xf3: {  	v21 =	vimm.s32 $0x0;
	vm2 =	vgt.f32 v23, v19;
	v22 =	vsel vm1, v23, v22  }
0xf4: {  	v21 =	vsel vm1, $0xFFFFFFFF, v21;
	v22 =	vsel vm2, v19, v22  }
0xf5: {  	v19 =	vsel vm2, v23, v19;
	v23 =	vimm.s32 $0x0;
	vm1 =	vgt.f32 v20, v22  }
0xf6: {  	v24 =	vor.u32 v16, v18;
	[tilespmem:$0x1FEA0] =	vst v21;
	v23 =	vsel vm1, $0xFFFFFFFF, v23  }
0xf7: {  	[tilespmem:$0x1FEB0] =	vst v23;
	v23 =	vnsel vm12, $0x0, v2  }
0xf8: {  	v21 =	vld.idx.msk [tilespmem:v25+s1+$0x0], $0xffff;
	v22 =	vsel vm1, v20, v22;
	vm1 =	vgt.f32 v20, v19;
	v23 =	vsel vm0, v0, v23  }
0xf9: {  	v25 =	vsel vm0, v2, v0;
	v22 =	vsel vm1, v19, v22;
	v23 =	vsel vm11, v3, v23  }
0xfa: {  	v19 =	vsel vm1, v20, v19;
	v20 =	vsel vm7, v25, v23;
	v23 =	vsel vm7, v3, v25;
	v25 =	vld [tilespmem:$0x1FE20]  }
0xfb: {  	v24 =	vld.idx.msk [tilespmem:v24+s1+$0x0], $0xffff;
	_ =	sdelay $0x1  }
0xfc: {  	vm11 =	vgt.f32 v21, v22  }
0xfd: {  	vm0 =	vgt.f32 v21, v19;
	v22 =	vsel vm11, v21, v22  }
0xfe: {  	v22 =	vsel vm0, v19, v22;
	v19 =	vsel vm0, v21, v19;
	vm12 =	vnez.u8 v25  }
0xff: {  	v21 =	vsel vm8, v4, v23;
	vm7 =	vgt.f32 v24, v22;
	v20 =	vsel vm12, v4, v20  }
0x100: {  	v22 =	vsel vm7, v24, v22;
	v20 =	vsel vm8, v23, v20;
	vm8 =	vgt.f32 v24, v19  }
0x101: {  	v23 =	vld [tilespmem:$0x1FE30];
	v22 =	vsel vm8, v19, v22;
	v19 =	vsel vm8, v24, v19  }
0x102: {  	v19 =	vsub.f32 v22, v19;
	v22 =	vld [tilespmem:$0x1FE40];
	_ =	sdelay $0x3  }
0x103: {  	vm12 =	vnez.u8 v23  }
0x104: {  	v20 =	vsel vm12, v5, v20;
	vm12 =	vnez.u8 v22;
	v22 =	vld [tilespmem:$0x1FE50];
	_ =	sdelay $0x2  }
0x105: {  	v20 =	vsel vm10, v21, v20  }
0x106: {  	v21 =	vsel vm10, v5, v21;
	v20 =	vsel vm12, v6, v20  }
0x107: {  	v19 =	vmul.f32 $1.442695020e+00, v19;
	v20 =	vsel vm6, v21, v20;
	vm12 =	vnez.u8 v22  }
0x108: {  	v21 =	vsel vm6, v6, v21;
	v20 =	vsel vm12, v7, v20  }
0x109: {  	(erf) = vpow2.f32 v19;
	v19 =	vsel vm9, v7, v21;
	v20 =	vsel vm9, v21, v20;
	v21 =	vld [tilespmem:$0x1FE60];
	_ =	sdelay $0x4  }
0x10a: {  	vm10 =	vnez.u8 v21;
	v21 =	vld [tilespmem:$0x1FE70];
	_ =	sdelay $0x4  }
0x10b: {  	vm12 =	vnez.u8 v21;
	v21 =	vld [tilespmem:$0x1FE80];
	_ =	sdelay $0x3  }
0x10c: {  	v20 =	vsel vm10, v9, v20  }
0x10d: {  	v20 =	vsel vm13, v19, v20;
	v19 =	vsel vm13, v9, v19;
	vm13 =	vnez.u8 v21;
	v21 =	vld [tilespmem:$0x1FE90];
	_ =	sdelay $0x3  }
0x10e: {  	v20 =	vsel vm12, v8, v20  }
0x10f: {  	v20 =	vsel vm15, v19, v20;
	v19 =	vsel vm15, v8, v19;
	vm15 =	vnez.u8 v21;
	v21 =	vpop (erf)  }
0x110: {  	v23 =	vld [tilespmem:$0x1FEA0];
	v20 =	vsel vm13, v10, v20;
	v22 =	vadd.f32 $1.000000000e+00, v21  }
0x111: {  	s17 =	sadd.s32 $0x800, s17;
	v20 =	vsel vm5, v19, v20  }
0x112: {  	[tilespmem:s17+$0xFFFFFC00] =	vst v17;
	v19 =	vsel vm5, v10, v19;
	v20 =	vsel vm15, v11, v20;
	(erf) = vrcp.f32 v22;
	v22 =	vld [tilespmem:$0x1FEB0]  }
0x113: {  	[tilespmem:s17+$0xFFFFFC80] =	vst v17;
	v20 =	vsel vm4, v19, v20  }
0x114: {  	[tilespmem:s17+$0xFFFFFD00] =	vst v17;
	v19 =	vsel vm4, v11, v19;
	v20 =	vsel vm14, v12, v20  }
0x115: {  	[tilespmem:s17+$0xFFFFFD80] =	vst v17;
	vm6 =	vnez.u8 v23;
	v20 =	vsel vm3, v19, v20  }
0x116: {  	[tilespmem:s17+$0xFFFFFE80] =	vst v17;
	v19 =	vsel vm3, v12, v19;
	v20 =	vsel vm6, v13, v20  }
0x117: {  	[tilespmem:s17+$0xFFFFFF00] =	vst v17;
	v20 =	vsel vm2, v19, v20;
	vm9 =	vnez.u8 v22  }
0x118: {  	[tilespmem:s17+$0x80] =	vst v17;
	v19 =	vsel vm2, v13, v19;
	v20 =	vsel vm9, v14, v20  }
0x119: {  	[tilespmem:s17+$0x100] =	vst v17;
	v20 =	vsel vm1, v19, v20  }
0x11a: {  	[tilespmem:s17+$0x280] =	vst v17;
	v19 =	vsel vm1, v14, v19;
	v20 =	vsel vm11, v15, v20  }
0x11b: {  	[tilespmem:s17+$0x200] =	vst v17;
	v20 =	vsel vm0, v19, v20;
	v19 =	vsel vm0, v15, v19  }
0x11c: {  	[tilespmem:s17+$0x0] =	vst v17;
	v20 =	vsel vm7, v16, v20;
	v22 =	vsel vm8, v16, v19  }
0x11d: {  	[tilespmem:s17+$0xFFFFFF80] =	vst v17;
	v20 =	vsel vm8, v19, v20;
	v19 =	vor.u32 v18, v22  }
0x11e: {  	[tilespmem:s17+$0x300] =	vst v17;
	v23 =	vor.u32 v18, v20  }
0x11f: {  	[tilespmem:s17+$0x380] =	vst v17  }
0x120: {  	[tilespmem:s17+$0xFFFFFE00] =	vst v17;
	v24 =	vor.u32 $0x1, v18;
	v25 =	vpop (erf)  }
0x121: {  	s29 =	simm.s32 $0x80;
	[tilespmem:s17+$0x180] =	vst v17;
	v21 =	vmul.f32 v25, v21  }
0x122: {  	[tilespmem:v19+s11+$0x0] =	vst.idx.msk $0xffff, v25;
	v19 =	vmov s29  }
0x123: {  	[tilespmem:v23+s11+$0x0] =	vst.idx.msk $0xffff, v21;
	v19 =	vshll.u32 v19, $0x7  }
0x124: {  	[tilespmem:v18+s12+$0x0] =	vst.idx.msk $0xffff, v22;
	v19 =	vor.u32 v1, v19  }
0x125: {  	s30 =	simm.s32 $0x0;
	[tilespmem:v24+s12+$0x0] =	vst.idx.msk $0xffff, v20;
	v18 =	vor.u32 v2, v19  }
0x126: {  	[hbm4b:s5+s30] =	stream.linear.scatter [tilespmem:s11], [sflag:$0x2], $0x4000, $0x38;
	[tilespmem:$0x18000] =	vst v63  }
0x127: {  	v20 =	vor.u32 v0, v19;
	_ =	swait.ge [sflag:s10], $0x4000  }
0x128: {  	[sflag:s10] =	ssyncset.done $0x0  }
0x129: {  	v21 =	vor.u32 v3, v19;
	[sflag:s10] =	ssyncadd.s32 $0xFFFFC000  }
0x12a: {  	v18 =	vld.idx.msk [tilespmem:v18+s1+$0x0], $0xffff;
	_ =	sdelay $0x1  }
0x12b: {  	v22 =	vor.u32 v4, v19;
	v20 =	vld.idx.msk [tilespmem:v20+s1+$0x0], $0xffff;
	_ =	sdelay $0x1  }
0x12c: {  	v21 =	vld.idx.msk [tilespmem:v21+s1+$0x0], $0xffff  }
0x12d: {  	v23 =	vor.u32 v5, v19;
	vm10 =	vlt.f32 v18, $-Inf;
	vm11 =	vgt.f32 v18, $-Inf  }
0x12e: {  	vm1 =	vmor vm11, vm10  }
0x12f: {  	v22 =	vld.idx.msk [tilespmem:v22+s1+$0x0], $0xffff;
	vm7 =	vgt.f32 v18, v20;
	v24 =	vnsel vm1, $0xFF800000, v18  }
0x130: {  	v24 =	vsel vm7, v20, v24  }
0x131: {  	v25 =	vor.u32 v6, v19;
	v18 =	vsel vm7, v18, v20;
	vm14 =	vgt.f32 v21, v24  }
0x132: {  	v20 =	vld.idx.msk [tilespmem:v23+s1+$0x0], $0xffff;
	vm9 =	vgt.f32 v21, v18;
	v23 =	vsel vm14, v21, v24  }
0x133: {  	v24 =	vor.u32 v7, v19;
	v23 =	vsel vm9, v18, v23  }
0x134: {  	v18 =	vsel vm9, v21, v18;
	v21 =	vimm.s32 $0x0;
	vm12 =	vgt.f32 v22, v23  }
0x135: {  	vm8 =	vgt.f32 v22, v18;
	v21 =	vsel vm12, $0xFFFFFFFF, v21;
	v23 =	vsel vm12, v22, v23  }
0x136: {  	[tilespmem:$0x1FEC0] =	vst v21;
	v21 =	vld.idx.msk [tilespmem:v25+s1+$0x0], $0xffff;
	v23 =	vsel vm8, v18, v23  }
0x137: {  	v18 =	vsel vm8, v22, v18;
	v22 =	vimm.s32 $0x0;
	vm13 =	vgt.f32 v20, v23  }
0x138: {  	v25 =	vor.u32 v9, v19;
	v22 =	vsel vm13, $0xFFFFFFFF, v22  }
0x139: {  	vm11 =	vgt.f32 v20, v18;
	v23 =	vsel vm13, v20, v23;
	[tilespmem:$0x1FED0] =	vst v22;
	v22 =	vld.idx.msk [tilespmem:v24+s1+$0x0], $0xffff  }
0x13a: {  	v24 =	vor.u32 v8, v19;
	v23 =	vsel vm11, v18, v23  }
0x13b: {  	v18 =	vsel vm11, v20, v18;
	v20 =	vimm.s32 $0x0;
	vm15 =	vgt.f32 v21, v23  }
0x13c: {  	vm6 =	vgt.f32 v21, v18;
	v20 =	vsel vm15, $0xFFFFFFFF, v20;
	v23 =	vsel vm15, v21, v23  }
0x13d: {  	[tilespmem:$0x1FEE0] =	vst v20;
	v20 =	vld.idx.msk [tilespmem:v25+s1+$0x0], $0xffff;
	v23 =	vsel vm6, v18, v23  }
0x13e: {  	v18 =	vsel vm6, v21, v18;
	v21 =	vimm.s32 $0x0;
	vm4 =	vgt.f32 v22, v23  }
0x13f: {  	v25 =	vor.u32 v10, v19;
	v21 =	vsel vm4, $0xFFFFFFFF, v21  }
0x140: {  	vm10 =	vgt.f32 v22, v18;
	v23 =	vsel vm4, v22, v23;
	[tilespmem:$0x1FEF0] =	vst v21;
	v21 =	vld.idx.msk [tilespmem:v24+s1+$0x0], $0xffff  }
0x141: {  	v24 =	vor.u32 v11, v19;
	v23 =	vsel vm10, v18, v23  }
0x142: {  	v18 =	vsel vm10, v22, v18;
	v22 =	vimm.s32 $0x0;
	vm5 =	vgt.f32 v20, v23  }
0x143: {  	vm13 =	vgt.f32 v20, v18;
	v22 =	vsel vm5, $0xFFFFFFFF, v22;
	v23 =	vsel vm5, v20, v23  }
0x144: {  	[tilespmem:$0x1FF00] =	vst v22;
	v22 =	vld.idx.msk [tilespmem:v25+s1+$0x0], $0xffff;
	v23 =	vsel vm13, v18, v23  }
0x145: {  	v18 =	vsel vm13, v20, v18;
	v20 =	vimm.s32 $0x0;
	vm4 =	vgt.f32 v21, v23  }
0x146: {  	v25 =	vor.u32 v12, v19;
	v20 =	vsel vm4, $0xFFFFFFFF, v20  }
0x147: {  	vm15 =	vgt.f32 v21, v18;
	v23 =	vsel vm4, v21, v23;
	[tilespmem:$0x1FF10] =	vst v20;
	v20 =	vld.idx.msk [tilespmem:v24+s1+$0x0], $0xffff  }
0x148: {  	v24 =	vor.u32 v13, v19;
	v23 =	vsel vm15, v18, v23  }
0x149: {  	v18 =	vsel vm15, v21, v18;
	v21 =	vimm.s32 $0x0;
	vm5 =	vgt.f32 v22, v23  }
0x14a: {  	v21 =	vsel vm5, $0xFFFFFFFF, v21;
	v23 =	vsel vm5, v22, v23;
	vm5 =	vgt.f32 v22, v18  }
0x14b: {  	[tilespmem:$0x1FF20] =	vst v21;
	v21 =	vld.idx.msk [tilespmem:v25+s1+$0x0], $0xffff;
	v23 =	vsel vm5, v18, v23  }
0x14c: {  	v18 =	vsel vm5, v22, v18;
	v22 =	vimm.s32 $0x0;
	vm12 =	vgt.f32 v20, v23  }
0x14d: {  	v25 =	vor.u32 v14, v19;
	v22 =	vsel vm12, $0xFFFFFFFF, v22  }
0x14e: {  	vm3 =	vgt.f32 v20, v18;
	v23 =	vsel vm12, v20, v23;
	[tilespmem:$0x1FF30] =	vst v22;
	v22 =	vld.idx.msk [tilespmem:v24+s1+$0x0], $0xffff  }
0x14f: {  	v24 =	vor.u32 v15, v19;
	v23 =	vsel vm3, v18, v23  }
0x150: {  	v18 =	vsel vm3, v20, v18;
	v20 =	vimm.s32 $0x0;
	vm4 =	vgt.f32 v21, v23  }
0x151: {  	v20 =	vsel vm4, $0xFFFFFFFF, v20;
	v23 =	vsel vm4, v21, v23;
	vm4 =	vgt.f32 v21, v18  }
0x152: {  	[tilespmem:$0x1FF40] =	vst v20;
	v20 =	vld.idx.msk [tilespmem:v25+s1+$0x0], $0xffff;
	v23 =	vsel vm4, v18, v23  }
0x153: {  	v18 =	vsel vm4, v21, v18;
	v21 =	vimm.s32 $0x0;
	vm12 =	vgt.f32 v22, v23  }
0x154: {  	v25 =	vor.u32 v16, v19;
	v21 =	vsel vm12, $0xFFFFFFFF, v21  }
0x155: {  	vm2 =	vgt.f32 v22, v18;
	v23 =	vsel vm12, v22, v23;
	[tilespmem:$0x1FF50] =	vst v21;
	v21 =	vld.idx.msk [tilespmem:v24+s1+$0x0], $0xffff  }
0x156: {  	v23 =	vsel vm2, v18, v23  }
0x157: {  	v18 =	vsel vm2, v22, v18;
	vm12 =	vgt.f32 v20, v23  }
0x158: {  	v22 =	vnsel vm1, $0x0, v2;
	vm1 =	vgt.f32 v20, v18;
	v23 =	vsel vm12, v20, v23  }
0x159: {  	v22 =	vsel vm7, v0, v22;
	v24 =	vld.idx.msk [tilespmem:v25+s1+$0x0], $0xffff;
	v25 =	vsel vm7, v2, v0;
	v23 =	vsel vm1, v18, v23  }
0x15a: {  	v22 =	vsel vm14, v3, v22;
	v18 =	vsel vm1, v20, v18;
	vm7 =	vgt.f32 v21, v23  }
0x15b: {  	v20 =	vsel vm9, v25, v22;
	v22 =	vsel vm7, v21, v23;
	v23 =	vsel vm9, v3, v25;
	v25 =	vld [tilespmem:$0x1FEC0];
	_ =	sdelay $0x3  }
0x15c: {  	vm0 =	vgt.f32 v21, v18  }
0x15d: {  	v22 =	vsel vm0, v18, v22;
	v18 =	vsel vm0, v21, v18;
	vm14 =	vnez.u8 v25  }
0x15e: {  	v21 =	vsel vm8, v4, v23;
	vm9 =	vgt.f32 v24, v22;
	v20 =	vsel vm14, v4, v20  }
0x15f: {  	v22 =	vsel vm9, v24, v22;
	v20 =	vsel vm8, v23, v20;
	vm8 =	vgt.f32 v24, v18  }
0x160: {  	v23 =	vld [tilespmem:$0x1FED0];
	v22 =	vsel vm8, v18, v22;
	v18 =	vsel vm8, v24, v18  }
0x161: {  	v18 =	vsub.f32 v22, v18;
	v22 =	vld [tilespmem:$0x1FEE0];
	_ =	sdelay $0x3  }
0x162: {  	vm14 =	vnez.u8 v23  }
0x163: {  	v20 =	vsel vm14, v5, v20;
	vm14 =	vnez.u8 v22;
	v22 =	vld [tilespmem:$0x1FEF0];
	_ =	sdelay $0x2  }
0x164: {  	v20 =	vsel vm11, v21, v20  }
0x165: {  	v21 =	vsel vm11, v5, v21;
	v20 =	vsel vm14, v6, v20  }
0x166: {  	v18 =	vmul.f32 $1.442695020e+00, v18;
	v20 =	vsel vm6, v21, v20;
	vm11 =	vnez.u8 v22  }
0x167: {  	v21 =	vsel vm6, v6, v21;
	v20 =	vsel vm11, v7, v20  }
0x168: {  	(erf) = vpow2.f32 v18;
	v18 =	vsel vm10, v21, v20;
	v20 =	vsel vm10, v7, v21;
	v21 =	vld [tilespmem:$0x1FF00];
	_ =	sdelay $0x4  }
0x169: {  	vm14 =	vnez.u8 v21;
	v21 =	vld [tilespmem:$0x1FF10];
	_ =	sdelay $0x4  }
0x16a: {  	vm10 =	vnez.u8 v21;
	v21 =	vld [tilespmem:$0x1FF20];
	_ =	sdelay $0x4  }
0x16b: {  	vm11 =	vnez.u8 v21;
	v21 =	vld [tilespmem:$0x1FF30];
	_ =	sdelay $0x2  }
0x16c: {  	v18 =	vsel vm14, v9, v18  }
0x16d: {  	v18 =	vsel vm13, v20, v18  }
0x16e: {  	v20 =	vsel vm13, v9, v20;
	v18 =	vsel vm10, v8, v18;
	vm13 =	vnez.u8 v21;
	v21 =	vld [tilespmem:$0x1FF40]  }
0x16f: {  	v18 =	vsel vm15, v20, v18  }
0x170: {  	v23 =	vld [tilespmem:$0x1FF50];
	v20 =	vsel vm15, v8, v20;
	v18 =	vsel vm11, v10, v18  }
0x171: {  	s31 =	simm.s32 $0x0;
	v18 =	vsel vm5, v20, v18  }
0x172: {  	[tilespmem:s31+$0xC300] =	vst v17;
	v20 =	vsel vm5, v10, v20;
	v18 =	vsel vm13, v11, v18  }
0x173: {  	[tilespmem:s31+$0xC400] =	vst v17;
	v18 =	vsel vm3, v20, v18;
	vm14 =	vnez.u8 v21  }
0x174: {  	[tilespmem:s31+$0xC580] =	vst v17;
	v22 =	vpop (erf);
	v20 =	vsel vm3, v11, v20;
	v18 =	vsel vm14, v12, v18  }
0x175: {  	[tilespmem:s31+$0xC600] =	vst v17;
	vm15 =	vnez.u8 v23;
	v21 =	vadd.f32 $1.000000000e+00, v22;
	v18 =	vsel vm4, v20, v18  }
0x176: {  	[tilespmem:s31+$0xC680] =	vst v17;
	v20 =	vsel vm4, v12, v20;
	v18 =	vsel vm15, v13, v18  }
0x177: {  	[tilespmem:s31+$0xC700] =	vst v17;
	(erf) = vrcp.f32 v21;
	v18 =	vsel vm2, v20, v18  }
0x178: {  	[tilespmem:s31+$0xC780] =	vst v17;
	v20 =	vsel vm2, v13, v20;
	v18 =	vsel vm12, v14, v18  }
0x179: {  	[tilespmem:s31+$0xC000] =	vst v17;
	v18 =	vsel vm1, v20, v18  }
0x17a: {  	[tilespmem:s31+$0xC080] =	vst v17;
	v20 =	vsel vm1, v14, v20;
	v18 =	vsel vm7, v15, v18  }
0x17b: {  	[tilespmem:s31+$0xC100] =	vst v17;
	v18 =	vsel vm0, v20, v18;
	v20 =	vsel vm0, v15, v20  }
0x17c: {  	[tilespmem:s31+$0xC180] =	vst v17;
	v18 =	vsel vm9, v16, v18;
	v30 =	vsel vm8, v16, v20  }
0x17d: {  	[tilespmem:s31+$0xC200] =	vst v17;
	v20 =	vsel vm8, v20, v18;
	v23 =	vor.u32 v19, v30  }
0x17e: {  	[tilespmem:s31+$0xC280] =	vst v17;
	v29 =	vor.u32 v19, v20  }
0x17f: {  	[tilespmem:s31+$0xC380] =	vst v17  }
0x180: {  	s18 =	simm.s32 $0x90;
	[tilespmem:s31+$0xC480] =	vst v17;
	v24 =	vpop (erf)  }
0x181: {  	[tilespmem:s31+$0xC500] =	vst v17;
	v18 =	vmov s18;
	v22 =	vmul.f32 v24, v22  }
0x182: {  	v18 =	vshll.u32 v18, $0x7;
	[tilespmem:v23+s11+$0x0] =	vst.idx.msk $0xffff, v24  }
0x183: {  	v18 =	vor.u32 v1, v18;
	[tilespmem:v29+s11+$0x0] =	vst.idx.msk $0xffff, v22;
	v29 =	vor.u32 $0x1, v19  }
0x184: {  	v21 =	vor.u32 v2, v18  }
0x185: {  	v27 =	vor.u32 v0, v18;
	v28 =	vor.u32 v3, v18  }
0x186: {  	v26 =	vor.u32 v4, v18;
	v25 =	vor.u32 v5, v18;
	v24 =	vor.u32 v6, v18  }
0x187: {  	s19 =	simm.s32 $0x4000;
	s17 =	simm.s32 $0x2000;
	v23 =	vor.u32 v7, v18;
	v22 =	vor.u32 v9, v18;
	[tilespmem:v19+s12+$0x0] =	vst.idx.msk $0xffff, v30  }
.LBB2_4:
0x188: {  	p0 =	sne.s32 s19, $0xE000;
	v30 =	vor.u32 v8, v18;
	v31 =	vor.u32 v10, v18;
	[tilespmem:v29+s12+$0x0] =	vst.idx.msk $0xffff, v20;
	s20 =	smov.u32 s19;
	s19 =	sadd.s32 $0x2000, s19  }
0x189: {  	v32 =	vor.u32 v11, v18;
	v33 =	vor.u32 v12, v18;
	v34 =	vor.u32 v13, v18;
	v29 =	vld.idx.msk [tilespmem:v21+s1+$0x0], $0xffff  }
0x18a: {  	v19 =	vor.u32 v15, v18;
	v20 =	vor.u32 v16, v18;
	v21 =	vor.u32 v14, v18  }
0x18b: {  	v27 =	vld.idx.msk [tilespmem:v27+s1+$0x0], $0xffff;
	_ =	sdelay $0x1  }
0x18c: {  	v28 =	vld.idx.msk [tilespmem:v28+s1+$0x0], $0xffff;
	_ =	sdelay $0x1  }
0x18d: {  	vm0 =	vlt.f32 v29, $-Inf;
	vm1 =	vgt.f32 v29, $-Inf  }
0x18e: {  	vm0 =	vmor vm1, vm0;
	v26 =	vld.idx.msk [tilespmem:v26+s1+$0x0], $0xffff  }
0x18f: {  	vm1 =	vgt.f32 v29, v27;
	v35 =	vnsel vm0, $0xFF800000, v29;
	v36 =	vnsel vm0, $0x0, v2  }
0x190: {  	v35 =	vsel vm1, v27, v35;
	v36 =	vsel vm1, v0, v36;
	v27 =	vsel vm1, v29, v27  }
0x191: {  	v29 =	vsel vm1, v2, v0;
	vm0 =	vgt.f32 v28, v35;
	v25 =	vld.idx.msk [tilespmem:v25+s1+$0x0], $0xffff  }
0x192: {  	vm1 =	vgt.f32 v28, v27;
	v35 =	vsel vm0, v28, v35;
	v36 =	vsel vm0, v3, v36  }
0x193: {  	v35 =	vsel vm1, v27, v35;
	v36 =	vsel vm1, v29, v36;
	v27 =	vsel vm1, v28, v27  }
0x194: {  	v28 =	vsel vm1, v3, v29;
	vm0 =	vgt.f32 v26, v35;
	v24 =	vld.idx.msk [tilespmem:v24+s1+$0x0], $0xffff  }
0x195: {  	vm1 =	vgt.f32 v26, v27;
	v29 =	vsel vm0, v26, v35;
	v35 =	vsel vm0, v4, v36  }
0x196: {  	v29 =	vsel vm1, v27, v29;
	v35 =	vsel vm1, v28, v35;
	v28 =	vsel vm1, v4, v28  }
0x197: {  	v26 =	vsel vm1, v26, v27;
	vm0 =	vgt.f32 v25, v29;
	v23 =	vld.idx.msk [tilespmem:v23+s1+$0x0], $0xffff  }
0x198: {  	vm1 =	vgt.f32 v25, v26;
	v27 =	vsel vm0, v25, v29;
	v29 =	vsel vm0, v5, v35  }
0x199: {  	v27 =	vsel vm1, v26, v27;
	v29 =	vsel vm1, v28, v29  }
0x19a: {  	v25 =	vsel vm1, v25, v26;
	vm0 =	vgt.f32 v24, v27;
	v22 =	vld.idx.msk [tilespmem:v22+s1+$0x0], $0xffff  }
0x19b: {  	v26 =	vsel vm1, v5, v28;
	vm1 =	vgt.f32 v24, v25;
	v27 =	vsel vm0, v24, v27  }
0x19c: {  	v28 =	vsel vm0, v6, v29;
	v29 =	vsel vm1, v6, v26;
	v27 =	vsel vm1, v25, v27  }
0x19d: {  	v24 =	vsel vm1, v24, v25;
	v26 =	vsel vm1, v26, v28;
	vm0 =	vgt.f32 v23, v27;
	v25 =	vld.idx.msk [tilespmem:v30+s1+$0x0], $0xffff  }
0x19e: {  	vm1 =	vgt.f32 v23, v24;
	v27 =	vsel vm0, v23, v27;
	v26 =	vsel vm0, v7, v26  }
0x19f: {  	v27 =	vsel vm1, v24, v27;
	v26 =	vsel vm1, v29, v26  }
0x1a0: {  	v23 =	vsel vm1, v23, v24;
	v24 =	vsel vm1, v7, v29;
	vm0 =	vgt.f32 v22, v27;
	v28 =	vld.idx.msk [tilespmem:v31+s1+$0x0], $0xffff  }
0x1a1: {  	vm1 =	vgt.f32 v22, v23;
	v27 =	vsel vm0, v22, v27;
	v26 =	vsel vm0, v9, v26  }
0x1a2: {  	v27 =	vsel vm1, v23, v27;
	v26 =	vsel vm1, v24, v26  }
0x1a3: {  	v22 =	vsel vm1, v22, v23;
	vm0 =	vgt.f32 v25, v27;
	v23 =	vld.idx.msk [tilespmem:v32+s1+$0x0], $0xffff  }
0x1a4: {  	v24 =	vsel vm1, v9, v24;
	vm1 =	vgt.f32 v25, v22;
	v27 =	vsel vm0, v25, v27  }
0x1a5: {  	v26 =	vsel vm0, v8, v26;
	v29 =	vsel vm1, v8, v24;
	v27 =	vsel vm1, v22, v27  }
0x1a6: {  	v24 =	vsel vm1, v24, v26;
	v22 =	vsel vm1, v25, v22;
	vm0 =	vgt.f32 v28, v27;
	v25 =	vld.idx.msk [tilespmem:v33+s1+$0x0], $0xffff  }
0x1a7: {  	vm1 =	vgt.f32 v28, v22;
	v26 =	vsel vm0, v28, v27;
	v24 =	vsel vm0, v10, v24  }
0x1a8: {  	v26 =	vsel vm1, v22, v26;
	v24 =	vsel vm1, v29, v24  }
0x1a9: {  	v27 =	vsel vm1, v10, v29;
	v22 =	vsel vm1, v28, v22;
	vm0 =	vgt.f32 v23, v26;
	v28 =	vld.idx.msk [tilespmem:v34+s1+$0x0], $0xffff  }
0x1aa: {  	vm1 =	vgt.f32 v23, v22;
	v26 =	vsel vm0, v23, v26;
	v24 =	vsel vm0, v11, v24  }
0x1ab: {  	v26 =	vsel vm1, v22, v26;
	v22 =	vsel vm1, v23, v22;
	v23 =	vsel vm1, v11, v27  }
0x1ac: {  	v24 =	vsel vm1, v27, v24;
	vm0 =	vgt.f32 v25, v26;
	v21 =	vld.idx.msk [tilespmem:v21+s1+$0x0], $0xffff  }
0x1ad: {  	vm1 =	vgt.f32 v25, v22;
	v26 =	vsel vm0, v25, v26;
	v24 =	vsel vm0, v12, v24  }
0x1ae: {  	v26 =	vsel vm1, v22, v26;
	v24 =	vsel vm1, v23, v24;
	v27 =	vld.idx.msk [tilespmem:v20+s1+$0x0], $0xffff  }
0x1af: {  	s21 =	sshra.s32 s17, $0x2;
	s17 =	smov.u32 s20;
	v20 =	vsel vm1, v25, v22;
	v22 =	vsel vm1, v12, v23;
	vm0 =	vgt.f32 v28, v26;
	v19 =	vld.idx.msk [tilespmem:v19+s1+$0x0], $0xffff  }
0x1b0: {  	vm1 =	vgt.f32 v28, v20;
	v23 =	vsel vm0, v28, v26;
	v24 =	vsel vm0, v13, v24;
	[tilespmem:s21+$0xC300] =	vst v17  }
0x1b1: {  	v23 =	vsel vm1, v20, v23;
	v24 =	vsel vm1, v22, v24;
	[tilespmem:s21+$0xC400] =	vst v17  }
0x1b2: {  	v20 =	vsel vm1, v28, v20;
	vm0 =	vgt.f32 v21, v23;
	[tilespmem:s21+$0xC580] =	vst v17  }
0x1b3: {  	vm2 =	vgt.f32 v21, v20;
	v23 =	vsel vm0, v21, v23;
	v24 =	vsel vm0, v14, v24;
	[tilespmem:s21+$0xC600] =	vst v17  }
0x1b4: {  	v22 =	vsel vm1, v13, v22;
	v23 =	vsel vm2, v20, v23;
	[tilespmem:s21+$0xC680] =	vst v17  }
0x1b5: {  	v20 =	vsel vm2, v21, v20;
	v21 =	vsel vm2, v14, v22;
	vm0 =	vgt.f32 v19, v23;
	[tilespmem:s21+$0xC700] =	vst v17  }
0x1b6: {  	v22 =	vsel vm2, v22, v24;
	vm1 =	vgt.f32 v19, v20;
	v23 =	vsel vm0, v19, v23;
	[tilespmem:s21+$0xC780] =	vst v17  }
0x1b7: {  	v22 =	vsel vm0, v15, v22;
	v19 =	vsel vm1, v19, v20;
	v23 =	vsel vm1, v20, v23;
	[tilespmem:s21+$0xC000] =	vst v17  }
0x1b8: {  	v20 =	vsel vm1, v21, v22;
	v21 =	vsel vm1, v15, v21;
	vm1 =	vgt.f32 v27, v23;
	[tilespmem:s21+$0xC080] =	vst v17  }
0x1b9: {  	vm0 =	vgt.f32 v27, v19;
	v22 =	vsel vm1, v27, v23;
	v20 =	vsel vm1, v16, v20;
	[tilespmem:s21+$0xC100] =	vst v17  }
0x1ba: {  	v22 =	vsel vm0, v19, v22;
	v20 =	vsel vm0, v21, v20;
	v19 =	vsel vm0, v27, v19;
	[tilespmem:s21+$0xC180] =	vst v17  }
0x1bb: {  	v19 =	vsub.f32 v22, v19;
	v22 =	vor.u32 v18, v20;
	[tilespmem:s21+$0xC200] =	vst v17  }
0x1bc: {  	[tilespmem:s21+$0xC280] =	vst v17  }
0x1bd: {  	v19 =	vmul.f32 $1.442695020e+00, v19;
	[tilespmem:s21+$0xC380] =	vst v17  }
0x1be: {  	[tilespmem:s21+$0xC480] =	vst v17  }
0x1bf: {  	[tilespmem:s21+$0xC500] =	vst v17;
	(erf) = vpow2.f32 v19;
	_ =	sdelay $0x8  }
0x1c0: {  	v19 =	vpop (erf)  }
0x1c1: {  	v23 =	vadd.f32 $1.000000000e+00, v19;
	_ =	sdelay $0x1  }
0x1c2: {  	(erf) = vrcp.f32 v23;
	_ =	sdelay $0x4  }
0x1c3: {  	v30 =	vsel vm0, v16, v21  }
0x1c4: {  	s18 =	sadd.s32 $0x10, s18;
	v23 =	vor.u32 v18, v30  }
0x1c5: {  	v21 =	vmov s18  }
0x1c6: {  	v21 =	vshll.u32 v21, $0x7  }
.Ltmp1:
0x1c7: {  	v29 =	vor.u32 $0x1, v18;
	v31 =	vor.u32 v1, v21;
	v24 =	vpop (erf);
	(pc) =	sbr.rel @p0 .LBB2_4-.Ltmp1, $4  }
0x1c8: {  	v27 =	vor.u32 v0, v31;
	v21 =	vor.u32 v2, v31;
	v19 =	vmul.f32 v24, v19  }
0x1c9: {  	v28 =	vor.u32 v3, v31;
	v26 =	vor.u32 v4, v31;
	[tilespmem:v23+s11+$0x0] =	vst.idx.msk $0xffff, v24  }
0x1ca: {  	v25 =	vor.u32 v5, v31;
	v24 =	vor.u32 v6, v31;
	[tilespmem:v22+s11+$0x0] =	vst.idx.msk $0xffff, v19  }
0x1cb: {  	v23 =	vor.u32 v7, v31;
	v22 =	vor.u32 v9, v31;
	[tilespmem:v18+s12+$0x0] =	vst.idx.msk $0xffff, v30;
	v18 =	vmov v31  }
0x1cc: {  	_ =	sdelay $0x3  }
0x1cd: {  	[tilespmem:v29+s12+$0x0] =	vst.idx.msk $0xffff, v20  }
0x1ce: {  	v19 =	vld.idx.msk [tilespmem:v21+s1+$0x0], $0xffff;
	_ =	sdelay $0x1  }
0x1cf: {  	v20 =	vld.idx.msk [tilespmem:v27+s1+$0x0], $0xffff;
	_ =	sdelay $0x1  }
0x1d0: {  	v45 =	vld.idx.msk [tilespmem:v28+s1+$0x0], $0xffff  }
0x1d1: {  	vm0 =	vlt.f32 v19, $-Inf;
	vm1 =	vgt.f32 v19, $-Inf  }
0x1d2: {  	vm14 =	vmor vm1, vm0  }
0x1d3: {  	v26 =	vld.idx.msk [tilespmem:v26+s1+$0x0], $0xffff;
	vm0 =	vgt.f32 v19, v20;
	v46 =	vnsel vm14, $0xFF800000, v19  }
0x1d4: {  	v27 =	vsel vm0, v20, v46  }
0x1d5: {  	v19 =	vsel vm0, v19, v20;
	vm11 =	vgt.f32 v45, v27  }
0x1d6: {  	v47 =	vld.idx.msk [tilespmem:v25+s1+$0x0], $0xffff;
	vm7 =	vgt.f32 v45, v19;
	v48 =	vsel vm11, v45, v27  }
0x1d7: {  	v25 =	vsel vm7, v19, v48  }
0x1d8: {  	v19 =	vsel vm7, v45, v19;
	vm12 =	vgt.f32 v26, v25  }
0x1d9: {  	v50 =	vld.idx.msk [tilespmem:v24+s1+$0x0], $0xffff;
	vm8 =	vgt.f32 v26, v19;
	v51 =	vsel vm12, v26, v25  }
0x1da: {  	v24 =	vsel vm8, v19, v51  }
0x1db: {  	v19 =	vsel vm8, v26, v19;
	vm13 =	vgt.f32 v47, v24  }
0x1dc: {  	v23 =	vld.idx.msk [tilespmem:v23+s1+$0x0], $0xffff;
	vm10 =	vgt.f32 v47, v19;
	v24 =	vsel vm13, v47, v24  }
0x1dd: {  	v53 =	vor.u32 v8, v18;
	v24 =	vsel vm10, v19, v24  }
0x1de: {  	v19 =	vsel vm10, v47, v19;
	vm15 =	vgt.f32 v50, v24  }
0x1df: {  	v55 =	vld.idx.msk [tilespmem:v22+s1+$0x0], $0xffff;
	vm6 =	vgt.f32 v50, v19;
	v56 =	vsel vm15, v50, v24  }
0x1e0: {  	v49 =	vimm.s32 $0x0;
	v57 =	vor.u32 v10, v18;
	v22 =	vsel vm6, v19, v56  }
0x1e1: {  	v52 =	vimm.s32 $0x0;
	v19 =	vsel vm6, v50, v19;
	vm4 =	vgt.f32 v23, v22  }
0x1e2: {  	v54 =	vimm.s32 $0x0;
	v59 =	vld.idx.msk [tilespmem:v53+s1+$0x0], $0xffff;
	vm9 =	vgt.f32 v23, v19;
	v22 =	vsel vm4, v23, v22  }
0x1e3: {  	v58 =	vimm.s32 $0x0;
	v60 =	vor.u32 v11, v18;
	v22 =	vsel vm9, v19, v22  }
0x1e4: {  	v61 =	vimm.s32 $0x0;
	v19 =	vsel vm9, v23, v19;
	vm5 =	vgt.f32 v55, v22  }
0x1e5: {  	v62 =	vld.idx.msk [tilespmem:v57+s1+$0x0], $0xffff;
	v25 =	vsel vm13, $0xFFFFFFFF, v52;
	vm13 =	vgt.f32 v55, v19;
	v22 =	vsel vm5, v55, v22  }
0x1e6: {  	v63 =	vor.u32 v12, v18;
	v21 =	vsel vm12, $0xFFFFFFFF, v49;
	v22 =	vsel vm13, v19, v22  }
0x1e7: {  	[tilespmem:$0x1FD80] =	vst v21;
	v21 =	vsel vm4, $0xFFFFFFFF, v58;
	v19 =	vsel vm13, v55, v19;
	vm4 =	vgt.f32 v59, v22  }
0x1e8: {  	v28 =	vld.idx.msk [tilespmem:v60+s1+$0x0], $0xffff;
	v20 =	vsel vm15, $0xFFFFFFFF, v54;
	vm15 =	vgt.f32 v59, v19;
	v22 =	vsel vm4, v59, v22  }
0x1e9: {  	v29 =	vor.u32 v13, v18;
	v30 =	vimm.s32 $0x0;
	v22 =	vsel vm15, v19, v22  }
0x1ea: {  	v23 =	vsel vm5, $0xFFFFFFFF, v61;
	v19 =	vsel vm15, v59, v19;
	vm5 =	vgt.f32 v62, v22  }
0x1eb: {  	v31 =	vld.idx.msk [tilespmem:v63+s1+$0x0], $0xffff;
	[tilespmem:$0x1FDB0] =	vst v21;
	v21 =	vsel vm5, $0xFFFFFFFF, v30;
	v22 =	vsel vm5, v62, v22;
	vm5 =	vgt.f32 v62, v19  }
0x1ec: {  	v32 =	vor.u32 v14, v18;
	v22 =	vsel vm5, v19, v22  }
0x1ed: {  	v19 =	vsel vm5, v62, v19;
	vm12 =	vgt.f32 v28, v22  }
0x1ee: {  	v35 =	vor.u32 v15, v18;
	v34 =	vld.idx.msk [tilespmem:v29+s1+$0x0], $0xffff;
	vm3 =	vgt.f32 v28, v19;
	v22 =	vsel vm12, v28, v22  }
0x1ef: {  	v36 =	vimm.s32 $0x0;
	v27 =	vimm.s32 $0x0;
	v22 =	vsel vm3, v19, v22  }
0x1f0: {  	[tilespmem:$0x1FDA0] =	vst v20;
	v20 =	vsel vm4, $0xFFFFFFFF, v27;
	v19 =	vsel vm3, v28, v19;
	vm4 =	vgt.f32 v31, v22  }
0x1f1: {  	v37 =	vld.idx.msk [tilespmem:v32+s1+$0x0], $0xffff;
	[tilespmem:$0x1FDD0] =	vst v20;
	v20 =	vsel vm4, $0xFFFFFFFF, v36;
	v22 =	vsel vm4, v31, v22;
	vm4 =	vgt.f32 v31, v19  }
0x1f2: {  	v33 =	vimm.s32 $0x0;
	v38 =	vor.u32 v16, v18;
	v22 =	vsel vm4, v19, v22  }
0x1f3: {  	v45 =	vld [tilespmem:$0x1FD80];
	[tilespmem:$0x1FDC0] =	vst v23;
	v23 =	vsel vm12, $0xFFFFFFFF, v33;
	v19 =	vsel vm4, v31, v19;
	vm12 =	vgt.f32 v34, v22  }
0x1f4: {  	v39 =	vimm.s32 $0x0;
	v40 =	vld.idx.msk [tilespmem:v35+s1+$0x0], $0xffff;
	vm2 =	vgt.f32 v34, v19;
	v22 =	vsel vm12, v34, v22  }
0x1f5: {  	v41 =	vnsel vm14, $0x0, v2;
	v42 =	vsel vm0, v2, v0;
	[tilespmem:$0x1FD90] =	vst v25;
	v22 =	vsel vm2, v19, v22  }
0x1f6: {  	v47 =	vld [tilespmem:$0x1FD90];
	[tilespmem:$0x1FDE0] =	vst v21;
	v21 =	vsel vm12, $0xFFFFFFFF, v39;
	v19 =	vsel vm2, v34, v19;
	vm12 =	vgt.f32 v37, v22  }
0x1f7: {  	v44 =	vsel vm7, v3, v42;
	v24 =	vld.idx.msk [tilespmem:v38+s1+$0x0], $0xffff;
	vm1 =	vgt.f32 v37, v19;
	v22 =	vsel vm12, v37, v22  }
0x1f8: {  	vm14 =	vnez.u8 v45;
	[tilespmem:$0x1FDF0] =	vst v23;
	v23 =	vsel vm0, v0, v41;
	v22 =	vsel vm1, v19, v22  }
0x1f9: {  	v23 =	vsel vm11, v3, v23;
	v19 =	vsel vm1, v37, v19;
	vm11 =	vgt.f32 v40, v22  }
0x1fa: {  	v48 =	vld [tilespmem:$0x1FDA0];
	v43 =	vsel vm7, v42, v23;
	vm0 =	vgt.f32 v40, v19;
	v22 =	vsel vm11, v40, v22  }
0x1fb: {  	v46 =	vsel vm8, v4, v44;
	[tilespmem:$0x1FE00] =	vst v20;
	v20 =	vsel vm14, v4, v43;
	v22 =	vsel vm0, v19, v22  }
0x1fc: {  	v49 =	vld [tilespmem:$0x1FDB0];
	vm14 =	vnez.u8 v47;
	v19 =	vsel vm0, v40, v19;
	vm7 =	vgt.f32 v24, v22  }
0x1fd: {  	v20 =	vsel vm8, v44, v20;
	vm8 =	vgt.f32 v24, v19;
	v22 =	vsel vm7, v24, v22  }
0x1fe: {  	v51 =	vld [tilespmem:$0x1FDC0];
	v20 =	vsel vm14, v5, v20;
	v22 =	vsel vm8, v19, v22;
	v19 =	vsel vm8, v24, v19  }
0x1ff: {  	vm14 =	vnez.u8 v48;
	v20 =	vsel vm10, v46, v20;
	v19 =	vsub.f32 v22, v19  }
0x200: {  	v52 =	vld [tilespmem:$0x1FDD0];
	[tilespmem:$0x1FE10] =	vst v21;
	v21 =	vsel vm10, v5, v46;
	v20 =	vsel vm14, v6, v20  }
0x201: {  	vm10 =	vnez.u8 v49;
	v20 =	vsel vm6, v21, v20;
	v19 =	vmul.f32 $1.442695020e+00, v19  }
0x202: {  	v53 =	vld [tilespmem:$0x1FDE0];
	v21 =	vsel vm6, v6, v21;
	v20 =	vsel vm10, v7, v20  }
0x203: {  	vm14 =	vnez.u8 v51;
	(erf) = vpow2.f32 v19;
	v19 =	vsel vm9, v21, v20  }
0x204: {  	v54 =	vld [tilespmem:$0x1FDF0];
	v50 =	vsel vm9, v7, v21;
	v19 =	vsel vm14, v9, v19  }
0x205: {  	vm9 =	vnez.u8 v52;
	v19 =	vsel vm13, v50, v19  }
0x206: {  	v55 =	vld [tilespmem:$0x1FE00];
	v20 =	vsel vm13, v9, v50;
	v19 =	vsel vm9, v8, v19  }
0x207: {  	vm10 =	vnez.u8 v53;
	v19 =	vsel vm15, v20, v19  }
0x208: {  	v58 =	vld [tilespmem:$0x1FE10];
	v20 =	vsel vm15, v8, v20;
	v19 =	vsel vm10, v10, v19  }
0x209: {  	s17 =	sshra.s32 s17, $0x2;
	vm13 =	vnez.u8 v54;
	v19 =	vsel vm5, v20, v19  }
0x20a: {  	[tilespmem:s17+$0xC300] =	vst v17;
	v20 =	vsel vm5, v10, v20;
	v19 =	vsel vm13, v11, v19  }
0x20b: {  	[tilespmem:s17+$0xC400] =	vst v17;
	vm14 =	vnez.u8 v55;
	v19 =	vsel vm3, v20, v19  }
0x20c: {  	[tilespmem:s17+$0xC580] =	vst v17;
	v20 =	vsel vm3, v11, v20;
	v19 =	vsel vm14, v12, v19;
	v56 =	vpop (erf)  }
0x20d: {  	[tilespmem:s17+$0xC600] =	vst v17;
	vm15 =	vnez.u8 v58;
	v19 =	vsel vm4, v20, v19;
	v57 =	vadd.f32 $1.000000000e+00, v56  }
0x20e: {  	[tilespmem:s17+$0xC680] =	vst v17;
	v20 =	vsel vm4, v12, v20;
	v19 =	vsel vm15, v13, v19  }
0x20f: {  	[tilespmem:s17+$0xC700] =	vst v17;
	v19 =	vsel vm2, v20, v19;
	(erf) = vrcp.f32 v57  }
0x210: {  	[tilespmem:s17+$0xC780] =	vst v17;
	v20 =	vsel vm2, v13, v20;
	v19 =	vsel vm12, v14, v19  }
0x211: {  	[tilespmem:s17+$0xC000] =	vst v17;
	v19 =	vsel vm1, v20, v19  }
0x212: {  	[tilespmem:s17+$0xC080] =	vst v17;
	v20 =	vsel vm1, v14, v20;
	v19 =	vsel vm11, v15, v19  }
0x213: {  	[tilespmem:s17+$0xC100] =	vst v17;
	v19 =	vsel vm0, v20, v19;
	v20 =	vsel vm0, v15, v20  }
0x214: {  	[tilespmem:s17+$0xC180] =	vst v17;
	v19 =	vsel vm7, v16, v19;
	v59 =	vsel vm8, v16, v20  }
0x215: {  	[tilespmem:s17+$0xC200] =	vst v17;
	v19 =	vsel vm8, v20, v19;
	v60 =	vor.u32 v18, v59  }
0x216: {  	[tilespmem:s17+$0xC280] =	vst v17;
	v61 =	vor.u32 v18, v19  }
0x217: {  	[tilespmem:s17+$0xC380] =	vst v17  }
0x218: {  	[tilespmem:s17+$0xC480] =	vst v17;
	v62 =	vor.u32 $0x1, v18;
	v63 =	vpop (erf)  }
0x219: {  	[tilespmem:s17+$0xC500] =	vst v17;
	v21 =	vmul.f32 v63, v56  }
0x21a: {  	[tilespmem:v60+s11+$0x0] =	vst.idx.msk $0xffff, v63  }
0x21b: {  	[tilespmem:v61+s11+$0x0] =	vst.idx.msk $0xffff, v21  }
0x21c: {  	[tilespmem:v18+s12+$0x0] =	vst.idx.msk $0xffff, v59  }
0x21d: {  	[tilespmem:v62+s12+$0x0] =	vst.idx.msk $0xffff, v19  }
0x21e: {  	_ =	swait.ge [sflag:s13], $0x4000  }
0x21f: {  	[sflag:s13] =	ssyncset.done $0x0  }
0x220: {  	[sflag:s13] =	ssyncadd.s32 $0xFFFFC000  }
0x221: {  	[hbm4b:s6+s1] =	stream.linear.scatter [tilespmem:s14], [sflag:$0x3], $0x4000, $0x38;
	[tilespmem:$0x18000] =	vst v63  }
0x222: {  	s16 =	sadd.s32 $0x1, s16;
	_ =	swait.ge [sflag:s15], $0x4000  }
0x223: {  	p0 =	sne.s32 s16, s8;
	[sflag:s15] =	ssyncset.done $0x0  }
.Ltmp2:
0x224: {  	[sflag:s15] =	ssyncadd.s32 $0xFFFFC000;
	(pc) =	sbr.rel @p0 .LBB2_1-.Ltmp2, $4  }
0x225: {  	[hbm4b:s7+s1] =	stream.linear.scatter [tilespmem:s12], [sflag:$0x3], $0x8000, $0x38;
	[tilespmem:$0x18000] =	vst v63  }
0x226: {  	_ =	swait.ge [sflag:s15], $0x8000  }
0x227: {  	[sflag:s15] =	ssyncset.done $0x0  }
0x228: {  	[sflag:s15] =	ssyncadd.s32 $0xFFFF8000  }
0x229: {  	_ =	sfence.sel $0x180000  }
0x22a: {  	[bflag:$0x0] =	sbarrier.arrive $0xFFFF  }
0x22b: {  	p0 =	sne.s32 s2, $0x0;
	_ =	strace $0x90000047  }
0x22c: {  	s0 =	sadd.s32 @!p0 $0x100000, s0;
	[bflag:$0x2] =	sbarrier.arrive $0xFFFF  }
0x22d: {  	[sflag:s0] =	ssyncadd.tile.s32 @!p0 $0x1;
	_ =	shalt  }
.Lfunc_end2:
_tile_overlayer_lowered:
.L_overlay_start_2:
0x22e: {  	(tag) =	ssettag $0x2  }
0x22f: {  	s0 =	rddreg [dreg:$0x0];
	s2 =	stileid.u32  }
0x230: {  	s1 =	rddreg [dreg:$0x1];
	p0 =	sne.s32 s2, $0x0  }
0x231: {  	s3 =	rddreg [dreg:$0x2];
	[bflag:$0x3] =	sbarrier.arrive $0xFFFF;
	s2 =	simm.s32 @!p0 $0x1C03  }
0x232: {  	[timem:s3], [sflag:s2] =	dma.local @!p0 [hbm:s0], s1  }
0x233: {  	s0 =	simm.s32 @!p0 $0x3  }
0x234: {  	_ =	swait.ge @!p0 [sflag:s0], s1  }
0x235: {  	s1 =	ssub.s32 @!p0 $0x0, s1;
	[sflag:s0] =	ssyncset.done @!p0 $0x0  }
0x236: {  	[sflag:s0] =	ssyncadd.s32 @!p0 s1  }
0x237: {  	[bflag:$0x3] =	sbarrier.arrive $0xFFFF  }
0x238: {  	_ =	shalt  }

</sc_bundles>
